<compile_context>
chip_gen: v7x
topology: tpu7x:2x2x1
jax: 0.10.2.dev20260603
libtpu: 0.0.44.dev20260713+nightly
codegen_flags: <defaults>
</compile_context>

<pallas_src>
import functools

import jax
import jax.numpy as jnp
from jax import lax
from jax.experimental import pallas as pl
from jax.experimental.pallas import tpu as pltpu
from jax.experimental.pallas import tpu_sc as plsc

D = 1024
CHUNK = 16
NBUF = 7


@functools.cache
def _gather_fn(B):
    info = plsc.get_sparse_core_info()
    nw = info.num_cores * info.num_subcores
    b_per_w = B // nw
    nchunk = b_per_w // CHUNK
    nsuper = -(-nchunk // NBUF)
    mesh = plsc.VectorSubcoreMesh(core_axis_name="c", subcore_axis_name="s")

    @functools.partial(
        pl.kernel,
        mesh=mesh,
        out_type=jax.ShapeDtypeStruct((B, D), jnp.float32),
        scratch_types=[
            pltpu.VMEM((b_per_w,), jnp.int32),
            *[pltpu.VMEM((CHUNK, D), jnp.float32) for _ in range(NBUF)],
            *[pltpu.SemaphoreType.DMA for _ in range(2 * NBUF)],
        ],
    )
    def gather_kernel(table_hbm, ids_hbm, out_hbm, idx_v, *bufs_sems):
        bufs = bufs_sems[:NBUF]
        gsems = bufs_sems[NBUF : 2 * NBUF]
        osems = bufs_sems[2 * NBUF :]
        wid = lax.axis_index("s") * info.num_cores + lax.axis_index("c")
        base = wid * b_per_w

        pltpu.sync_copy(ids_hbm.at[pl.ds(base, b_per_w)], idx_v)

        def start_gather(g, b):
            pltpu.async_copy(
                table_hbm.at[idx_v.at[pl.ds(g * CHUNK, CHUNK)]], bufs[b], gsems[b]
            )

        for b in range(NBUF):
            start_gather(b, b)

        def super_body(k, carry):
            for b in range(NBUF):
                g = k * NBUF + b

                @pl.when(g < nchunk)
                def _():
                    pltpu.make_async_copy(
                        table_hbm.at[idx_v.at[pl.ds(0, CHUNK)]], bufs[b], gsems[b]
                    ).wait()
                    pltpu.async_copy(
                        bufs[b],
                        out_hbm.at[pl.ds(base + g * CHUNK, CHUNK)],
                        osems[b],
                    )

                    @pl.when(g + NBUF < nchunk)
                    def _():
                        pltpu.make_async_copy(
                            bufs[b],
                            out_hbm.at[pl.ds(base + g * CHUNK, CHUNK)],
                            osems[b],
                        ).wait()
                        start_gather(g + NBUF, b)

            return carry

        lax.fori_loop(0, nsuper, super_body, 0)

        for b in range(NBUF):
            pltpu.make_async_copy(
                bufs[b],
                out_hbm.at[pl.ds(base, CHUNK)],
                osems[b],
            ).wait()

    return gather_kernel


def kernel(input_ids, table):
    flat = input_ids.reshape(-1).astype(jnp.int32)
    out = _gather_fn(flat.shape[0])(table, flat)
    return out.reshape(input_ids.shape + (D,))

# --- scband reference (transcript-rebuilt; emitter-appended) ---
"""Pipeline reference for scband-qwen2-embeddings-39771397160966 (READ-ONLY COPY).

The authoritative reference and input builder live on the scoring server;
editing this copy changes nothing except your own understanding.
"""

import jax, jax.numpy as jnp
import numpy as np

VOCAB = 151936
EMBED_DIM = 1024
PAD_IDX = 0
BATCH = 4
SEQ = 8192


def setup_inputs(seed: int = 0) -> dict:
    key = jax.random.key(seed)
    k_idx, k_tab = jax.random.split(key)
    input_ids = jax.random.randint(k_idx, (BATCH, SEQ), 0, VOCAB, dtype=jnp.int64 if jax.config.read('jax_enable_x64') else jnp.int32)
    table = jax.random.normal(k_tab, (VOCAB, EMBED_DIM), dtype=jnp.float32)
    # nn.Embedding with padding_idx zero-initializes the pad row
    table = table.at[PAD_IDX].set(0.0)
    return {"input_ids": input_ids, "table": table}


def reference(input_ids, table):
    # forward: view(-1, last_dim) then embedding lookup
    input_shape = input_ids.shape
    flat_ids = input_ids.reshape(-1, input_shape[-1])
    inputs_embeds = jnp.take(table, flat_ids, axis=0)
    return inputs_embeds

if __name__ == "__main__":
    import jax
    _d = setup_inputs()
    print(jax.jit(kernel)(*tuple(_d.values())))

</pallas_src>

<mosaic_0001>
#map = affine_map<(d0, d1) -> (0, 0)>
#map1 = affine_map<(d0, d1) -> (0)>
module attributes {stable_mosaic.version = 14 : i64} {
  func.func @gather_kernel(%arg0: i32, %arg1: i32, %arg2: memref<151936x1024xf32, #tpu.memory_space<hbm>>, %arg3: memref<32768xi32, #tpu.memory_space<hbm>>, %arg4: memref<32768x1024xf32, #tpu.memory_space<hbm>>, %arg5: memref<1024xi32, #tpu.memory_space<vmem>>, %arg6: memref<16x1024xf32, #tpu.memory_space<vmem>>, %arg7: memref<16x1024xf32, #tpu.memory_space<vmem>>, %arg8: memref<16x1024xf32, #tpu.memory_space<vmem>>, %arg9: memref<16x1024xf32, #tpu.memory_space<vmem>>, %arg10: memref<16x1024xf32, #tpu.memory_space<vmem>>, %arg11: memref<16x1024xf32, #tpu.memory_space<vmem>>, %arg12: memref<16x1024xf32, #tpu.memory_space<vmem>>, %arg13: memref<!tpu.dma_semaphore, #tpu.memory_space<semaphore_mem>>, %arg14: memref<!tpu.dma_semaphore, #tpu.memory_space<semaphore_mem>>, %arg15: memref<!tpu.dma_semaphore, #tpu.memory_space<semaphore_mem>>, %arg16: memref<!tpu.dma_semaphore, #tpu.memory_space<semaphore_mem>>, %arg17: memref<!tpu.dma_semaphore, #tpu.memory_space<semaphore_mem>>, %arg18: memref<!tpu.dma_semaphore, #tpu.memory_space<semaphore_mem>>, %arg19: memref<!tpu.dma_semaphore, #tpu.memory_space<semaphore_mem>>, %arg20: memref<!tpu.dma_semaphore, #tpu.memory_space<semaphore_mem>>, %arg21: memref<!tpu.dma_semaphore, #tpu.memory_space<semaphore_mem>>, %arg22: memref<!tpu.dma_semaphore, #tpu.memory_space<semaphore_mem>>, %arg23: memref<!tpu.dma_semaphore, #tpu.memory_space<semaphore_mem>>, %arg24: memref<!tpu.dma_semaphore, #tpu.memory_space<semaphore_mem>>, %arg25: memref<!tpu.dma_semaphore, #tpu.memory_space<semaphore_mem>>, %arg26: memref<!tpu.dma_semaphore, #tpu.memory_space<semaphore_mem>>) attributes {dimension_semantics = [#tpu.dimension_semantics<core_parallel>, #tpu.dimension_semantics<subcore_parallel>], iteration_bounds = array<i64: 2, 16>, scalar_prefetch = 0 : i64, scratch_operands = 22 : i64, tpu.core_type = #tpu.core_type<sc_vector_subcore>, window_params = [{transform_indices = #map}, {transform_indices = #map1}, {transform_indices = #map}]} {
    %mul3A = arith.constant 2 : i32
    %mul3A_0 = arith.muli %arg1, %mul3A : i32
    %add3A = arith.addi %mul3A_0, %arg0 : i32
    %mul3A_1 = arith.constant 1024 : i32
    %mul3A_2 = arith.muli %add3A, %mul3A_1 : i32
    "tpu.region"() ({
      %run_scoped3A = tpu.sem_alloc : memref<!tpu.dma_semaphore, #tpu.memory_space<semaphore_mem>>
      %dma_start3A_69 = tpu.memref_slice %arg3[%mul3A_2] : memref<32768xi32, #tpu.memory_space<hbm>> -> memref<1024xi32, #tpu.memory_space<hbm>>
      %dma_start3A_70 = tpu.memref_slice %arg3[%mul3A_2] : memref<32768xi32, #tpu.memory_space<hbm>> -> memref<1024xi32, #tpu.memory_space<hbm>>
      tpu.enqueue_dma source(%dma_start3A_70 : memref<1024xi32, #tpu.memory_space<hbm>>) target(%arg5 : memref<1024xi32, #tpu.memory_space<vmem>>) target_semaphore(%run_scoped3A : memref<!tpu.dma_semaphore, #tpu.memory_space<semaphore_mem>>)
      %dma_wait3A_71 = tpu.memref_slice %arg3[%mul3A_2] : memref<32768xi32, #tpu.memory_space<hbm>> -> memref<1024xi32, #tpu.memory_space<hbm>>
      %dma_wait3A_72 = tpu.memref_slice %arg3[%mul3A_2] : memref<32768xi32, #tpu.memory_space<hbm>> -> memref<1024xi32, #tpu.memory_space<hbm>>
      tpu.wait_dma2 semaphore(%run_scoped3A : memref<!tpu.dma_semaphore, #tpu.memory_space<semaphore_mem>>) src(%dma_wait3A_72 : memref<1024xi32, #tpu.memory_space<hbm>>) dst(%arg5 : memref<1024xi32, #tpu.memory_space<vmem>>)
      tpu.yield
    }) : () -> ()
    %dma_start3A = arith.constant 0 : i32
    %dma_start3A_3 = tpu.memref_slice %arg5[%dma_start3A] : memref<1024xi32, #tpu.memory_space<vmem>> -> memref<16xi32, #tpu.memory_space<vmem>>
    %dma_start3A_4 = arith.constant 0 : i32
    %dma_start3A_5 = arith.constant 0 : i32
    %dma_start3A_6 = tpu.memref_slice %arg2[%dma_start3A_4, %dma_start3A_5] : memref<151936x1024xf32, #tpu.memory_space<hbm>> -> memref<151936x1024xf32, #tpu.memory_space<hbm>>
    tpu.enqueue_indirect_dma source(%dma_start3A_6 : memref<151936x1024xf32, #tpu.memory_space<hbm>>) target(%arg6 : memref<16x1024xf32, #tpu.memory_space<vmem>>) offsets(%dma_start3A_3 : memref<16xi32, #tpu.memory_space<vmem>>) semaphore(%arg13 : memref<!tpu.dma_semaphore, #tpu.memory_space<semaphore_mem>>)
    %dma_start3A_7 = arith.constant 16 : i32
    %dma_start3A_8 = tpu.memref_slice %arg5[%dma_start3A_7] : memref<1024xi32, #tpu.memory_space<vmem>> -> memref<16xi32, #tpu.memory_space<vmem>>
    %dma_start3A_9 = arith.constant 0 : i32
    %dma_start3A_10 = arith.constant 0 : i32
    %dma_start3A_11 = tpu.memref_slice %arg2[%dma_start3A_9, %dma_start3A_10] : memref<151936x1024xf32, #tpu.memory_space<hbm>> -> memref<151936x1024xf32, #tpu.memory_space<hbm>>
    tpu.enqueue_indirect_dma source(%dma_start3A_11 : memref<151936x1024xf32, #tpu.memory_space<hbm>>) target(%arg7 : memref<16x1024xf32, #tpu.memory_space<vmem>>) offsets(%dma_start3A_8 : memref<16xi32, #tpu.memory_space<vmem>>) semaphore(%arg14 : memref<!tpu.dma_semaphore, #tpu.memory_space<semaphore_mem>>)
    %dma_start3A_12 = arith.constant 32 : i32
    %dma_start3A_13 = tpu.memref_slice %arg5[%dma_start3A_12] : memref<1024xi32, #tpu.memory_space<vmem>> -> memref<16xi32, #tpu.memory_space<vmem>>
    %dma_start3A_14 = arith.constant 0 : i32
    %dma_start3A_15 = arith.constant 0 : i32
    %dma_start3A_16 = tpu.memref_slice %arg2[%dma_start3A_14, %dma_start3A_15] : memref<151936x1024xf32, #tpu.memory_space<hbm>> -> memref<151936x1024xf32, #tpu.memory_space<hbm>>
    tpu.enqueue_indirect_dma source(%dma_start3A_16 : memref<151936x1024xf32, #tpu.memory_space<hbm>>) target(%arg8 : memref<16x1024xf32, #tpu.memory_space<vmem>>) offsets(%dma_start3A_13 : memref<16xi32, #tpu.memory_space<vmem>>) semaphore(%arg15 : memref<!tpu.dma_semaphore, #tpu.memory_space<semaphore_mem>>)
    %dma_start3A_17 = arith.constant 48 : i32
    %dma_start3A_18 = tpu.memref_slice %arg5[%dma_start3A_17] : memref<1024xi32, #tpu.memory_space<vmem>> -> memref<16xi32, #tpu.memory_space<vmem>>
    %dma_start3A_19 = arith.constant 0 : i32
    %dma_start3A_20 = arith.constant 0 : i32
    %dma_start3A_21 = tpu.memref_slice %arg2[%dma_start3A_19, %dma_start3A_20] : memref<151936x1024xf32, #tpu.memory_space<hbm>> -> memref<151936x1024xf32, #tpu.memory_space<hbm>>
    tpu.enqueue_indirect_dma source(%dma_start3A_21 : memref<151936x1024xf32, #tpu.memory_space<hbm>>) target(%arg9 : memref<16x1024xf32, #tpu.memory_space<vmem>>) offsets(%dma_start3A_18 : memref<16xi32, #tpu.memory_space<vmem>>) semaphore(%arg16 : memref<!tpu.dma_semaphore, #tpu.memory_space<semaphore_mem>>)
    %dma_start3A_22 = arith.constant 64 : i32
    %dma_start3A_23 = tpu.memref_slice %arg5[%dma_start3A_22] : memref<1024xi32, #tpu.memory_space<vmem>> -> memref<16xi32, #tpu.memory_space<vmem>>
    %dma_start3A_24 = arith.constant 0 : i32
    %dma_start3A_25 = arith.constant 0 : i32
    %dma_start3A_26 = tpu.memref_slice %arg2[%dma_start3A_24, %dma_start3A_25] : memref<151936x1024xf32, #tpu.memory_space<hbm>> -> memref<151936x1024xf32, #tpu.memory_space<hbm>>
    tpu.enqueue_indirect_dma source(%dma_start3A_26 : memref<151936x1024xf32, #tpu.memory_space<hbm>>) target(%arg10 : memref<16x1024xf32, #tpu.memory_space<vmem>>) offsets(%dma_start3A_23 : memref<16xi32, #tpu.memory_space<vmem>>) semaphore(%arg17 : memref<!tpu.dma_semaphore, #tpu.memory_space<semaphore_mem>>)
    %dma_start3A_27 = arith.constant 80 : i32
    %dma_start3A_28 = tpu.memref_slice %arg5[%dma_start3A_27] : memref<1024xi32, #tpu.memory_space<vmem>> -> memref<16xi32, #tpu.memory_space<vmem>>
    %dma_start3A_29 = arith.constant 0 : i32
    %dma_start3A_30 = arith.constant 0 : i32
    %dma_start3A_31 = tpu.memref_slice %arg2[%dma_start3A_29, %dma_start3A_30] : memref<151936x1024xf32, #tpu.memory_space<hbm>> -> memref<151936x1024xf32, #tpu.memory_space<hbm>>
    tpu.enqueue_indirect_dma source(%dma_start3A_31 : memref<151936x1024xf32, #tpu.memory_space<hbm>>) target(%arg11 : memref<16x1024xf32, #tpu.memory_space<vmem>>) offsets(%dma_start3A_28 : memref<16xi32, #tpu.memory_space<vmem>>) semaphore(%arg18 : memref<!tpu.dma_semaphore, #tpu.memory_space<semaphore_mem>>)
    %dma_start3A_32 = arith.constant 96 : i32
    %dma_start3A_33 = tpu.memref_slice %arg5[%dma_start3A_32] : memref<1024xi32, #tpu.memory_space<vmem>> -> memref<16xi32, #tpu.memory_space<vmem>>
    %dma_start3A_34 = arith.constant 0 : i32
    %dma_start3A_35 = arith.constant 0 : i32
    %dma_start3A_36 = tpu.memref_slice %arg2[%dma_start3A_34, %dma_start3A_35] : memref<151936x1024xf32, #tpu.memory_space<hbm>> -> memref<151936x1024xf32, #tpu.memory_space<hbm>>
    tpu.enqueue_indirect_dma source(%dma_start3A_36 : memref<151936x1024xf32, #tpu.memory_space<hbm>>) target(%arg12 : memref<16x1024xf32, #tpu.memory_space<vmem>>) offsets(%dma_start3A_33 : memref<16xi32, #tpu.memory_space<vmem>>) semaphore(%arg19 : memref<!tpu.dma_semaphore, #tpu.memory_space<semaphore_mem>>)
    %scan3A = arith.constant 0 : i32
    %scan3A_37 = arith.constant 0 : i32
    %scan3A_38 = arith.constant 10 : i32
    %scan3A_39 = arith.addi %scan3A_37, %scan3A_38 : i32
    %scan3A_40 = arith.constant 1 : i32
    scf.for %scan3A_69 = %scan3A_37 to %scan3A_39 step %scan3A_40  : i32 {
      %mul3A_70 = arith.constant 7 : i32
      %mul3A_71 = arith.muli %scan3A_69, %mul3A_70 : i32
      %add3A_72 = arith.constant 0 : i32
      %add3A_73 = arith.addi %mul3A_71, %add3A_72 : i32
      %lt3A = arith.constant 64 : i32
      %lt3A_74 = arith.cmpi slt, %add3A_73, %lt3A : i32
      %convert_element_type3A = arith.extui %lt3A_74 : i1 to i32
      %cond3A = arith.constant 0 : i32
      %cond3A_75 = arith.cmpi ne, %convert_element_type3A, %cond3A : i32
      scf.if %cond3A_75 {
        %dma_wait3A_130 = arith.constant 0 : i32
        %dma_wait3A_131 = tpu.memref_slice %arg5[%dma_wait3A_130] : memref<1024xi32, #tpu.memory_space<vmem>> -> memref<16xi32, #tpu.memory_space<vmem>>
        %dma_wait3A_132 = arith.constant 0 : i32
        %dma_wait3A_133 = arith.constant 0 : i32
        %dma_wait3A_134 = tpu.memref_slice %arg2[%dma_wait3A_132, %dma_wait3A_133] : memref<151936x1024xf32, #tpu.memory_space<hbm>> -> memref<151936x1024xf32, #tpu.memory_space<hbm>>
        tpu.wait_indirect_dma semaphore(%arg13 : memref<!tpu.dma_semaphore, #tpu.memory_space<semaphore_mem>>) src(%dma_wait3A_134 : memref<151936x1024xf32, #tpu.memory_space<hbm>>) dst(%arg6 : memref<16x1024xf32, #tpu.memory_space<vmem>>)
        %mul3A_135 = arith.constant 16 : i32
        %mul3A_136 = arith.muli %add3A_73, %mul3A_135 : i32
        %add3A_137 = arith.addi %mul3A_2, %mul3A_136 : i32
        %dma_start3A_138 = arith.constant 0 : i32
        %dma_start3A_139 = tpu.memref_slice %arg4[%add3A_137, %dma_start3A_138] : memref<32768x1024xf32, #tpu.memory_space<hbm>> -> memref<16x1024xf32, #tpu.memory_space<hbm>>
        %dma_start3A_140 = arith.constant 0 : i32
        %dma_start3A_141 = tpu.memref_slice %arg4[%add3A_137, %dma_start3A_140] : memref<32768x1024xf32, #tpu.memory_space<hbm>> -> memref<16x1024xf32, #tpu.memory_space<hbm>>
        tpu.enqueue_dma source(%arg6 : memref<16x1024xf32, #tpu.memory_space<vmem>>) target(%dma_start3A_141 : memref<16x1024xf32, #tpu.memory_space<hbm>>) target_semaphore(%arg20 : memref<!tpu.dma_semaphore, #tpu.memory_space<semaphore_mem>>)
        %add3A_142 = arith.constant 7 : i32
        %add3A_143 = arith.addi %add3A_73, %add3A_142 : i32
        %lt3A_144 = arith.constant 64 : i32
        %lt3A_145 = arith.cmpi slt, %add3A_143, %lt3A_144 : i32
        %convert_element_type3A_146 = arith.extui %lt3A_145 : i1 to i32
        %cond3A_147 = arith.constant 0 : i32
        %cond3A_148 = arith.cmpi ne, %convert_element_type3A_146, %cond3A_147 : i32
        scf.if %cond3A_148 {
          %mul3A_149 = arith.constant 16 : i32
          %mul3A_150 = arith.muli %add3A_73, %mul3A_149 : i32
          %add3A_151 = arith.addi %mul3A_2, %mul3A_150 : i32
          %dma_wait3A_152 = arith.constant 0 : i32
          %dma_wait3A_153 = tpu.memref_slice %arg4[%add3A_151, %dma_wait3A_152] : memref<32768x1024xf32, #tpu.memory_space<hbm>> -> memref<16x1024xf32, #tpu.memory_space<hbm>>
          %dma_wait3A_154 = arith.constant 0 : i32
          %dma_wait3A_155 = tpu.memref_slice %arg4[%add3A_151, %dma_wait3A_154] : memref<32768x1024xf32, #tpu.memory_space<hbm>> -> memref<16x1024xf32, #tpu.memory_space<hbm>>
          tpu.wait_dma2 semaphore(%arg20 : memref<!tpu.dma_semaphore, #tpu.memory_space<semaphore_mem>>) src(%arg6 : memref<16x1024xf32, #tpu.memory_space<vmem>>) dst(%dma_wait3A_155 : memref<16x1024xf32, #tpu.memory_space<hbm>>)
          %add3A_156 = arith.constant 7 : i32
          %add3A_157 = arith.addi %add3A_73, %add3A_156 : i32
          %mul3A_158 = arith.constant 16 : i32
          %mul3A_159 = arith.muli %add3A_157, %mul3A_158 : i32
          %dma_start3A_160 = tpu.memref_slice %arg5[%mul3A_159] : memref<1024xi32, #tpu.memory_space<vmem>> -> memref<16xi32, #tpu.memory_space<vmem>>
          %dma_start3A_161 = arith.constant 0 : i32
          %dma_start3A_162 = arith.constant 0 : i32
          %dma_start3A_163 = tpu.memref_slice %arg2[%dma_start3A_161, %dma_start3A_162] : memref<151936x1024xf32, #tpu.memory_space<hbm>> -> memref<151936x1024xf32, #tpu.memory_space<hbm>>
          tpu.enqueue_indirect_dma source(%dma_start3A_163 : memref<151936x1024xf32, #tpu.memory_space<hbm>>) target(%arg6 : memref<16x1024xf32, #tpu.memory_space<vmem>>) offsets(%dma_start3A_160 : memref<16xi32, #tpu.memory_space<vmem>>) semaphore(%arg13 : memref<!tpu.dma_semaphore, #tpu.memory_space<semaphore_mem>>)
        } else {
        }
      } else {
      }
      %mul3A_76 = arith.constant 7 : i32
      %mul3A_77 = arith.muli %scan3A_69, %mul3A_76 : i32
      %add3A_78 = arith.constant 1 : i32
      %add3A_79 = arith.addi %mul3A_77, %add3A_78 : i32
      %lt3A_80 = arith.constant 64 : i32
      %lt3A_81 = arith.cmpi slt, %add3A_79, %lt3A_80 : i32
      %convert_element_type3A_82 = arith.extui %lt3A_81 : i1 to i32
      %cond3A_83 = arith.constant 0 : i32
      %cond3A_84 = arith.cmpi ne, %convert_element_type3A_82, %cond3A_83 : i32
      scf.if %cond3A_84 {
        %dma_wait3A_130 = arith.constant 0 : i32
        %dma_wait3A_131 = tpu.memref_slice %arg5[%dma_wait3A_130] : memref<1024xi32, #tpu.memory_space<vmem>> -> memref<16xi32, #tpu.memory_space<vmem>>
        %dma_wait3A_132 = arith.constant 0 : i32
        %dma_wait3A_133 = arith.constant 0 : i32
        %dma_wait3A_134 = tpu.memref_slice %arg2[%dma_wait3A_132, %dma_wait3A_133] : memref<151936x1024xf32, #tpu.memory_space<hbm>> -> memref<151936x1024xf32, #tpu.memory_space<hbm>>
        tpu.wait_indirect_dma semaphore(%arg14 : memref<!tpu.dma_semaphore, #tpu.memory_space<semaphore_mem>>) src(%dma_wait3A_134 : memref<151936x1024xf32, #tpu.memory_space<hbm>>) dst(%arg7 : memref<16x1024xf32, #tpu.memory_space<vmem>>)
        %mul3A_135 = arith.constant 16 : i32
        %mul3A_136 = arith.muli %add3A_79, %mul3A_135 : i32
        %add3A_137 = arith.addi %mul3A_2, %mul3A_136 : i32
        %dma_start3A_138 = arith.constant 0 : i32
        %dma_start3A_139 = tpu.memref_slice %arg4[%add3A_137, %dma_start3A_138] : memref<32768x1024xf32, #tpu.memory_space<hbm>> -> memref<16x1024xf32, #tpu.memory_space<hbm>>
        %dma_start3A_140 = arith.constant 0 : i32
        %dma_start3A_141 = tpu.memref_slice %arg4[%add3A_137, %dma_start3A_140] : memref<32768x1024xf32, #tpu.memory_space<hbm>> -> memref<16x1024xf32, #tpu.memory_space<hbm>>
        tpu.enqueue_dma source(%arg7 : memref<16x1024xf32, #tpu.memory_space<vmem>>) target(%dma_start3A_141 : memref<16x1024xf32, #tpu.memory_space<hbm>>) target_semaphore(%arg21 : memref<!tpu.dma_semaphore, #tpu.memory_space<semaphore_mem>>)
        %add3A_142 = arith.constant 7 : i32
        %add3A_143 = arith.addi %add3A_79, %add3A_142 : i32
        %lt3A_144 = arith.constant 64 : i32
        %lt3A_145 = arith.cmpi slt, %add3A_143, %lt3A_144 : i32
        %convert_element_type3A_146 = arith.extui %lt3A_145 : i1 to i32
        %cond3A_147 = arith.constant 0 : i32
        %cond3A_148 = arith.cmpi ne, %convert_element_type3A_146, %cond3A_147 : i32
        scf.if %cond3A_148 {
          %mul3A_149 = arith.constant 16 : i32
          %mul3A_150 = arith.muli %add3A_79, %mul3A_149 : i32
          %add3A_151 = arith.addi %mul3A_2, %mul3A_150 : i32
          %dma_wait3A_152 = arith.constant 0 : i32
          %dma_wait3A_153 = tpu.memref_slice %arg4[%add3A_151, %dma_wait3A_152] : memref<32768x1024xf32, #tpu.memory_space<hbm>> -> memref<16x1024xf32, #tpu.memory_space<hbm>>
          %dma_wait3A_154 = arith.constant 0 : i32
          %dma_wait3A_155 = tpu.memref_slice %arg4[%add3A_151, %dma_wait3A_154] : memref<32768x1024xf32, #tpu.memory_space<hbm>> -> memref<16x1024xf32, #tpu.memory_space<hbm>>
          tpu.wait_dma2 semaphore(%arg21 : memref<!tpu.dma_semaphore, #tpu.memory_space<semaphore_mem>>) src(%arg7 : memref<16x1024xf32, #tpu.memory_space<vmem>>) dst(%dma_wait3A_155 : memref<16x1024xf32, #tpu.memory_space<hbm>>)
          %add3A_156 = arith.constant 7 : i32
          %add3A_157 = arith.addi %add3A_79, %add3A_156 : i32
          %mul3A_158 = arith.constant 16 : i32
          %mul3A_159 = arith.muli %add3A_157, %mul3A_158 : i32
          %dma_start3A_160 = tpu.memref_slice %arg5[%mul3A_159] : memref<1024xi32, #tpu.memory_space<vmem>> -> memref<16xi32, #tpu.memory_space<vmem>>
          %dma_start3A_161 = arith.constant 0 : i32
          %dma_start3A_162 = arith.constant 0 : i32
          %dma_start3A_163 = tpu.memref_slice %arg2[%dma_start3A_161, %dma_start3A_162] : memref<151936x1024xf32, #tpu.memory_space<hbm>> -> memref<151936x1024xf32, #tpu.memory_space<hbm>>
          tpu.enqueue_indirect_dma source(%dma_start3A_163 : memref<151936x1024xf32, #tpu.memory_space<hbm>>) target(%arg7 : memref<16x1024xf32, #tpu.memory_space<vmem>>) offsets(%dma_start3A_160 : memref<16xi32, #tpu.memory_space<vmem>>) semaphore(%arg14 : memref<!tpu.dma_semaphore, #tpu.memory_space<semaphore_mem>>)
        } else {
        }
      } else {
      }
      %mul3A_85 = arith.constant 7 : i32
      %mul3A_86 = arith.muli %scan3A_69, %mul3A_85 : i32
      %add3A_87 = arith.constant 2 : i32
      %add3A_88 = arith.addi %mul3A_86, %add3A_87 : i32
      %lt3A_89 = arith.constant 64 : i32
      %lt3A_90 = arith.cmpi slt, %add3A_88, %lt3A_89 : i32
      %convert_element_type3A_91 = arith.extui %lt3A_90 : i1 to i32
      %cond3A_92 = arith.constant 0 : i32
      %cond3A_93 = arith.cmpi ne, %convert_element_type3A_91, %cond3A_92 : i32
      scf.if %cond3A_93 {
        %dma_wait3A_130 = arith.constant 0 : i32
        %dma_wait3A_131 = tpu.memref_slice %arg5[%dma_wait3A_130] : memref<1024xi32, #tpu.memory_space<vmem>> -> memref<16xi32, #tpu.memory_space<vmem>>
        %dma_wait3A_132 = arith.constant 0 : i32
        %dma_wait3A_133 = arith.constant 0 : i32
        %dma_wait3A_134 = tpu.memref_slice %arg2[%dma_wait3A_132, %dma_wait3A_133] : memref<151936x1024xf32, #tpu.memory_space<hbm>> -> memref<151936x1024xf32, #tpu.memory_space<hbm>>
        tpu.wait_indirect_dma semaphore(%arg15 : memref<!tpu.dma_semaphore, #tpu.memory_space<semaphore_mem>>) src(%dma_wait3A_134 : memref<151936x1024xf32, #tpu.memory_space<hbm>>) dst(%arg8 : memref<16x1024xf32, #tpu.memory_space<vmem>>)
        %mul3A_135 = arith.constant 16 : i32
        %mul3A_136 = arith.muli %add3A_88, %mul3A_135 : i32
        %add3A_137 = arith.addi %mul3A_2, %mul3A_136 : i32
        %dma_start3A_138 = arith.constant 0 : i32
        %dma_start3A_139 = tpu.memref_slice %arg4[%add3A_137, %dma_start3A_138] : memref<32768x1024xf32, #tpu.memory_space<hbm>> -> memref<16x1024xf32, #tpu.memory_space<hbm>>
        %dma_start3A_140 = arith.constant 0 : i32
        %dma_start3A_141 = tpu.memref_slice %arg4[%add3A_137, %dma_start3A_140] : memref<32768x1024xf32, #tpu.memory_space<hbm>> -> memref<16x1024xf32, #tpu.memory_space<hbm>>
        tpu.enqueue_dma source(%arg8 : memref<16x1024xf32, #tpu.memory_space<vmem>>) target(%dma_start3A_141 : memref<16x1024xf32, #tpu.memory_space<hbm>>) target_semaphore(%arg22 : memref<!tpu.dma_semaphore, #tpu.memory_space<semaphore_mem>>)
        %add3A_142 = arith.constant 7 : i32
        %add3A_143 = arith.addi %add3A_88, %add3A_142 : i32
        %lt3A_144 = arith.constant 64 : i32
        %lt3A_145 = arith.cmpi slt, %add3A_143, %lt3A_144 : i32
        %convert_element_type3A_146 = arith.extui %lt3A_145 : i1 to i32
        %cond3A_147 = arith.constant 0 : i32
        %cond3A_148 = arith.cmpi ne, %convert_element_type3A_146, %cond3A_147 : i32
        scf.if %cond3A_148 {
          %mul3A_149 = arith.constant 16 : i32
          %mul3A_150 = arith.muli %add3A_88, %mul3A_149 : i32
          %add3A_151 = arith.addi %mul3A_2, %mul3A_150 : i32
          %dma_wait3A_152 = arith.constant 0 : i32
          %dma_wait3A_153 = tpu.memref_slice %arg4[%add3A_151, %dma_wait3A_152] : memref<32768x1024xf32, #tpu.memory_space<hbm>> -> memref<16x1024xf32, #tpu.memory_space<hbm>>
          %dma_wait3A_154 = arith.constant 0 : i32
          %dma_wait3A_155 = tpu.memref_slice %arg4[%add3A_151, %dma_wait3A_154] : memref<32768x1024xf32, #tpu.memory_space<hbm>> -> memref<16x1024xf32, #tpu.memory_space<hbm>>
          tpu.wait_dma2 semaphore(%arg22 : memref<!tpu.dma_semaphore, #tpu.memory_space<semaphore_mem>>) src(%arg8 : memref<16x1024xf32, #tpu.memory_space<vmem>>) dst(%dma_wait3A_155 : memref<16x1024xf32, #tpu.memory_space<hbm>>)
          %add3A_156 = arith.constant 7 : i32
          %add3A_157 = arith.addi %add3A_88, %add3A_156 : i32
          %mul3A_158 = arith.constant 16 : i32
          %mul3A_159 = arith.muli %add3A_157, %mul3A_158 : i32
          %dma_start3A_160 = tpu.memref_slice %arg5[%mul3A_159] : memref<1024xi32, #tpu.memory_space<vmem>> -> memref<16xi32, #tpu.memory_space<vmem>>
          %dma_start3A_161 = arith.constant 0 : i32
          %dma_start3A_162 = arith.constant 0 : i32
          %dma_start3A_163 = tpu.memref_slice %arg2[%dma_start3A_161, %dma_start3A_162] : memref<151936x1024xf32, #tpu.memory_space<hbm>> -> memref<151936x1024xf32, #tpu.memory_space<hbm>>
          tpu.enqueue_indirect_dma source(%dma_start3A_163 : memref<151936x1024xf32, #tpu.memory_space<hbm>>) target(%arg8 : memref<16x1024xf32, #tpu.memory_space<vmem>>) offsets(%dma_start3A_160 : memref<16xi32, #tpu.memory_space<vmem>>) semaphore(%arg15 : memref<!tpu.dma_semaphore, #tpu.memory_space<semaphore_mem>>)
        } else {
        }
      } else {
      }
      %mul3A_94 = arith.constant 7 : i32
      %mul3A_95 = arith.muli %scan3A_69, %mul3A_94 : i32
      %add3A_96 = arith.constant 3 : i32
      %add3A_97 = arith.addi %mul3A_95, %add3A_96 : i32
      %lt3A_98 = arith.constant 64 : i32
      %lt3A_99 = arith.cmpi slt, %add3A_97, %lt3A_98 : i32
      %convert_element_type3A_100 = arith.extui %lt3A_99 : i1 to i32
      %cond3A_101 = arith.constant 0 : i32
      %cond3A_102 = arith.cmpi ne, %convert_element_type3A_100, %cond3A_101 : i32
      scf.if %cond3A_102 {
        %dma_wait3A_130 = arith.constant 0 : i32
        %dma_wait3A_131 = tpu.memref_slice %arg5[%dma_wait3A_130] : memref<1024xi32, #tpu.memory_space<vmem>> -> memref<16xi32, #tpu.memory_space<vmem>>
        %dma_wait3A_132 = arith.constant 0 : i32
        %dma_wait3A_133 = arith.constant 0 : i32
        %dma_wait3A_134 = tpu.memref_slice %arg2[%dma_wait3A_132, %dma_wait3A_133] : memref<151936x1024xf32, #tpu.memory_space<hbm>> -> memref<151936x1024xf32, #tpu.memory_space<hbm>>
        tpu.wait_indirect_dma semaphore(%arg16 : memref<!tpu.dma_semaphore, #tpu.memory_space<semaphore_mem>>) src(%dma_wait3A_134 : memref<151936x1024xf32, #tpu.memory_space<hbm>>) dst(%arg9 : memref<16x1024xf32, #tpu.memory_space<vmem>>)
        %mul3A_135 = arith.constant 16 : i32
        %mul3A_136 = arith.muli %add3A_97, %mul3A_135 : i32
        %add3A_137 = arith.addi %mul3A_2, %mul3A_136 : i32
        %dma_start3A_138 = arith.constant 0 : i32
        %dma_start3A_139 = tpu.memref_slice %arg4[%add3A_137, %dma_start3A_138] : memref<32768x1024xf32, #tpu.memory_space<hbm>> -> memref<16x1024xf32, #tpu.memory_space<hbm>>
        %dma_start3A_140 = arith.constant 0 : i32
        %dma_start3A_141 = tpu.memref_slice %arg4[%add3A_137, %dma_start3A_140] : memref<32768x1024xf32, #tpu.memory_space<hbm>> -> memref<16x1024xf32, #tpu.memory_space<hbm>>
        tpu.enqueue_dma source(%arg9 : memref<16x1024xf32, #tpu.memory_space<vmem>>) target(%dma_start3A_141 : memref<16x1024xf32, #tpu.memory_space<hbm>>) target_semaphore(%arg23 : memref<!tpu.dma_semaphore, #tpu.memory_space<semaphore_mem>>)
        %add3A_142 = arith.constant 7 : i32
        %add3A_143 = arith.addi %add3A_97, %add3A_142 : i32
        %lt3A_144 = arith.constant 64 : i32
        %lt3A_145 = arith.cmpi slt, %add3A_143, %lt3A_144 : i32
        %convert_element_type3A_146 = arith.extui %lt3A_145 : i1 to i32
        %cond3A_147 = arith.constant 0 : i32
        %cond3A_148 = arith.cmpi ne, %convert_element_type3A_146, %cond3A_147 : i32
        scf.if %cond3A_148 {
          %mul3A_149 = arith.constant 16 : i32
          %mul3A_150 = arith.muli %add3A_97, %mul3A_149 : i32
          %add3A_151 = arith.addi %mul3A_2, %mul3A_150 : i32
          %dma_wait3A_152 = arith.constant 0 : i32
          %dma_wait3A_153 = tpu.memref_slice %arg4[%add3A_151, %dma_wait3A_152] : memref<32768x1024xf32, #tpu.memory_space<hbm>> -> memref<16x1024xf32, #tpu.memory_space<hbm>>
          %dma_wait3A_154 = arith.constant 0 : i32
          %dma_wait3A_155 = tpu.memref_slice %arg4[%add3A_151, %dma_wait3A_154] : memref<32768x1024xf32, #tpu.memory_space<hbm>> -> memref<16x1024xf32, #tpu.memory_space<hbm>>
          tpu.wait_dma2 semaphore(%arg23 : memref<!tpu.dma_semaphore, #tpu.memory_space<semaphore_mem>>) src(%arg9 : memref<16x1024xf32, #tpu.memory_space<vmem>>) dst(%dma_wait3A_155 : memref<16x1024xf32, #tpu.memory_space<hbm>>)
          %add3A_156 = arith.constant 7 : i32
          %add3A_157 = arith.addi %add3A_97, %add3A_156 : i32
          %mul3A_158 = arith.constant 16 : i32
          %mul3A_159 = arith.muli %add3A_157, %mul3A_158 : i32
          %dma_start3A_160 = tpu.memref_slice %arg5[%mul3A_159] : memref<1024xi32, #tpu.memory_space<vmem>> -> memref<16xi32, #tpu.memory_space<vmem>>
          %dma_start3A_161 = arith.constant 0 : i32
          %dma_start3A_162 = arith.constant 0 : i32
          %dma_start3A_163 = tpu.memref_slice %arg2[%dma_start3A_161, %dma_start3A_162] : memref<151936x1024xf32, #tpu.memory_space<hbm>> -> memref<151936x1024xf32, #tpu.memory_space<hbm>>
          tpu.enqueue_indirect_dma source(%dma_start3A_163 : memref<151936x1024xf32, #tpu.memory_space<hbm>>) target(%arg9 : memref<16x1024xf32, #tpu.memory_space<vmem>>) offsets(%dma_start3A_160 : memref<16xi32, #tpu.memory_space<vmem>>) semaphore(%arg16 : memref<!tpu.dma_semaphore, #tpu.memory_space<semaphore_mem>>)
        } else {
        }
      } else {
      }
      %mul3A_103 = arith.constant 7 : i32
      %mul3A_104 = arith.muli %scan3A_69, %mul3A_103 : i32
      %add3A_105 = arith.constant 4 : i32
      %add3A_106 = arith.addi %mul3A_104, %add3A_105 : i32
      %lt3A_107 = arith.constant 64 : i32
      %lt3A_108 = arith.cmpi slt, %add3A_106, %lt3A_107 : i32
      %convert_element_type3A_109 = arith.extui %lt3A_108 : i1 to i32
      %cond3A_110 = arith.constant 0 : i32
      %cond3A_111 = arith.cmpi ne, %convert_element_type3A_109, %cond3A_110 : i32
      scf.if %cond3A_111 {
        %dma_wait3A_130 = arith.constant 0 : i32
        %dma_wait3A_131 = tpu.memref_slice %arg5[%dma_wait3A_130] : memref<1024xi32, #tpu.memory_space<vmem>> -> memref<16xi32, #tpu.memory_space<vmem>>
        %dma_wait3A_132 = arith.constant 0 : i32
        %dma_wait3A_133 = arith.constant 0 : i32
        %dma_wait3A_134 = tpu.memref_slice %arg2[%dma_wait3A_132, %dma_wait3A_133] : memref<151936x1024xf32, #tpu.memory_space<hbm>> -> memref<151936x1024xf32, #tpu.memory_space<hbm>>
        tpu.wait_indirect_dma semaphore(%arg17 : memref<!tpu.dma_semaphore, #tpu.memory_space<semaphore_mem>>) src(%dma_wait3A_134 : memref<151936x1024xf32, #tpu.memory_space<hbm>>) dst(%arg10 : memref<16x1024xf32, #tpu.memory_space<vmem>>)
        %mul3A_135 = arith.constant 16 : i32
        %mul3A_136 = arith.muli %add3A_106, %mul3A_135 : i32
        %add3A_137 = arith.addi %mul3A_2, %mul3A_136 : i32
        %dma_start3A_138 = arith.constant 0 : i32
        %dma_start3A_139 = tpu.memref_slice %arg4[%add3A_137, %dma_start3A_138] : memref<32768x1024xf32, #tpu.memory_space<hbm>> -> memref<16x1024xf32, #tpu.memory_space<hbm>>
        %dma_start3A_140 = arith.constant 0 : i32
        %dma_start3A_141 = tpu.memref_slice %arg4[%add3A_137, %dma_start3A_140] : memref<32768x1024xf32, #tpu.memory_space<hbm>> -> memref<16x1024xf32, #tpu.memory_space<hbm>>
        tpu.enqueue_dma source(%arg10 : memref<16x1024xf32, #tpu.memory_space<vmem>>) target(%dma_start3A_141 : memref<16x1024xf32, #tpu.memory_space<hbm>>) target_semaphore(%arg24 : memref<!tpu.dma_semaphore, #tpu.memory_space<semaphore_mem>>)
        %add3A_142 = arith.constant 7 : i32
        %add3A_143 = arith.addi %add3A_106, %add3A_142 : i32
        %lt3A_144 = arith.constant 64 : i32
        %lt3A_145 = arith.cmpi slt, %add3A_143, %lt3A_144 : i32
        %convert_element_type3A_146 = arith.extui %lt3A_145 : i1 to i32
        %cond3A_147 = arith.constant 0 : i32
        %cond3A_148 = arith.cmpi ne, %convert_element_type3A_146, %cond3A_147 : i32
        scf.if %cond3A_148 {
          %mul3A_149 = arith.constant 16 : i32
          %mul3A_150 = arith.muli %add3A_106, %mul3A_149 : i32
          %add3A_151 = arith.addi %mul3A_2, %mul3A_150 : i32
          %dma_wait3A_152 = arith.constant 0 : i32
          %dma_wait3A_153 = tpu.memref_slice %arg4[%add3A_151, %dma_wait3A_152] : memref<32768x1024xf32, #tpu.memory_space<hbm>> -> memref<16x1024xf32, #tpu.memory_space<hbm>>
          %dma_wait3A_154 = arith.constant 0 : i32
          %dma_wait3A_155 = tpu.memref_slice %arg4[%add3A_151, %dma_wait3A_154] : memref<32768x1024xf32, #tpu.memory_space<hbm>> -> memref<16x1024xf32, #tpu.memory_space<hbm>>
          tpu.wait_dma2 semaphore(%arg24 : memref<!tpu.dma_semaphore, #tpu.memory_space<semaphore_mem>>) src(%arg10 : memref<16x1024xf32, #tpu.memory_space<vmem>>) dst(%dma_wait3A_155 : memref<16x1024xf32, #tpu.memory_space<hbm>>)
          %add3A_156 = arith.constant 7 : i32
          %add3A_157 = arith.addi %add3A_106, %add3A_156 : i32
          %mul3A_158 = arith.constant 16 : i32
          %mul3A_159 = arith.muli %add3A_157, %mul3A_158 : i32
          %dma_start3A_160 = tpu.memref_slice %arg5[%mul3A_159] : memref<1024xi32, #tpu.memory_space<vmem>> -> memref<16xi32, #tpu.memory_space<vmem>>
          %dma_start3A_161 = arith.constant 0 : i32
          %dma_start3A_162 = arith.constant 0 : i32
          %dma_start3A_163 = tpu.memref_slice %arg2[%dma_start3A_161, %dma_start3A_162] : memref<151936x1024xf32, #tpu.memory_space<hbm>> -> memref<151936x1024xf32, #tpu.memory_space<hbm>>
          tpu.enqueue_indirect_dma source(%dma_start3A_163 : memref<151936x1024xf32, #tpu.memory_space<hbm>>) target(%arg10 : memref<16x1024xf32, #tpu.memory_space<vmem>>) offsets(%dma_start3A_160 : memref<16xi32, #tpu.memory_space<vmem>>) semaphore(%arg17 : memref<!tpu.dma_semaphore, #tpu.memory_space<semaphore_mem>>)
        } else {
        }
      } else {
      }
      %mul3A_112 = arith.constant 7 : i32
      %mul3A_113 = arith.muli %scan3A_69, %mul3A_112 : i32
      %add3A_114 = arith.constant 5 : i32
      %add3A_115 = arith.addi %mul3A_113, %add3A_114 : i32
      %lt3A_116 = arith.constant 64 : i32
      %lt3A_117 = arith.cmpi slt, %add3A_115, %lt3A_116 : i32
      %convert_element_type3A_118 = arith.extui %lt3A_117 : i1 to i32
      %cond3A_119 = arith.constant 0 : i32
      %cond3A_120 = arith.cmpi ne, %convert_element_type3A_118, %cond3A_119 : i32
      scf.if %cond3A_120 {
        %dma_wait3A_130 = arith.constant 0 : i32
        %dma_wait3A_131 = tpu.memref_slice %arg5[%dma_wait3A_130] : memref<1024xi32, #tpu.memory_space<vmem>> -> memref<16xi32, #tpu.memory_space<vmem>>
        %dma_wait3A_132 = arith.constant 0 : i32
        %dma_wait3A_133 = arith.constant 0 : i32
        %dma_wait3A_134 = tpu.memref_slice %arg2[%dma_wait3A_132, %dma_wait3A_133] : memref<151936x1024xf32, #tpu.memory_space<hbm>> -> memref<151936x1024xf32, #tpu.memory_space<hbm>>
        tpu.wait_indirect_dma semaphore(%arg18 : memref<!tpu.dma_semaphore, #tpu.memory_space<semaphore_mem>>) src(%dma_wait3A_134 : memref<151936x1024xf32, #tpu.memory_space<hbm>>) dst(%arg11 : memref<16x1024xf32, #tpu.memory_space<vmem>>)
        %mul3A_135 = arith.constant 16 : i32
        %mul3A_136 = arith.muli %add3A_115, %mul3A_135 : i32
        %add3A_137 = arith.addi %mul3A_2, %mul3A_136 : i32
        %dma_start3A_138 = arith.constant 0 : i32
        %dma_start3A_139 = tpu.memref_slice %arg4[%add3A_137, %dma_start3A_138] : memref<32768x1024xf32, #tpu.memory_space<hbm>> -> memref<16x1024xf32, #tpu.memory_space<hbm>>
        %dma_start3A_140 = arith.constant 0 : i32
        %dma_start3A_141 = tpu.memref_slice %arg4[%add3A_137, %dma_start3A_140] : memref<32768x1024xf32, #tpu.memory_space<hbm>> -> memref<16x1024xf32, #tpu.memory_space<hbm>>
        tpu.enqueue_dma source(%arg11 : memref<16x1024xf32, #tpu.memory_space<vmem>>) target(%dma_start3A_141 : memref<16x1024xf32, #tpu.memory_space<hbm>>) target_semaphore(%arg25 : memref<!tpu.dma_semaphore, #tpu.memory_space<semaphore_mem>>)
        %add3A_142 = arith.constant 7 : i32
        %add3A_143 = arith.addi %add3A_115, %add3A_142 : i32
        %lt3A_144 = arith.constant 64 : i32
        %lt3A_145 = arith.cmpi slt, %add3A_143, %lt3A_144 : i32
        %convert_element_type3A_146 = arith.extui %lt3A_145 : i1 to i32
        %cond3A_147 = arith.constant 0 : i32
        %cond3A_148 = arith.cmpi ne, %convert_element_type3A_146, %cond3A_147 : i32
        scf.if %cond3A_148 {
          %mul3A_149 = arith.constant 16 : i32
          %mul3A_150 = arith.muli %add3A_115, %mul3A_149 : i32
          %add3A_151 = arith.addi %mul3A_2, %mul3A_150 : i32
          %dma_wait3A_152 = arith.constant 0 : i32
          %dma_wait3A_153 = tpu.memref_slice %arg4[%add3A_151, %dma_wait3A_152] : memref<32768x1024xf32, #tpu.memory_space<hbm>> -> memref<16x1024xf32, #tpu.memory_space<hbm>>
          %dma_wait3A_154 = arith.constant 0 : i32
          %dma_wait3A_155 = tpu.memref_slice %arg4[%add3A_151, %dma_wait3A_154] : memref<32768x1024xf32, #tpu.memory_space<hbm>> -> memref<16x1024xf32, #tpu.memory_space<hbm>>
          tpu.wait_dma2 semaphore(%arg25 : memref<!tpu.dma_semaphore, #tpu.memory_space<semaphore_mem>>) src(%arg11 : memref<16x1024xf32, #tpu.memory_space<vmem>>) dst(%dma_wait3A_155 : memref<16x1024xf32, #tpu.memory_space<hbm>>)
          %add3A_156 = arith.constant 7 : i32
          %add3A_157 = arith.addi %add3A_115, %add3A_156 : i32
          %mul3A_158 = arith.constant 16 : i32
          %mul3A_159 = arith.muli %add3A_157, %mul3A_158 : i32
          %dma_start3A_160 = tpu.memref_slice %arg5[%mul3A_159] : memref<1024xi32, #tpu.memory_space<vmem>> -> memref<16xi32, #tpu.memory_space<vmem>>
          %dma_start3A_161 = arith.constant 0 : i32
          %dma_start3A_162 = arith.constant 0 : i32
          %dma_start3A_163 = tpu.memref_slice %arg2[%dma_start3A_161, %dma_start3A_162] : memref<151936x1024xf32, #tpu.memory_space<hbm>> -> memref<151936x1024xf32, #tpu.memory_space<hbm>>
          tpu.enqueue_indirect_dma source(%dma_start3A_163 : memref<151936x1024xf32, #tpu.memory_space<hbm>>) target(%arg11 : memref<16x1024xf32, #tpu.memory_space<vmem>>) offsets(%dma_start3A_160 : memref<16xi32, #tpu.memory_space<vmem>>) semaphore(%arg18 : memref<!tpu.dma_semaphore, #tpu.memory_space<semaphore_mem>>)
        } else {
        }
      } else {
      }
      %mul3A_121 = arith.constant 7 : i32
      %mul3A_122 = arith.muli %scan3A_69, %mul3A_121 : i32
      %add3A_123 = arith.constant 6 : i32
      %add3A_124 = arith.addi %mul3A_122, %add3A_123 : i32
      %lt3A_125 = arith.constant 64 : i32
      %lt3A_126 = arith.cmpi slt, %add3A_124, %lt3A_125 : i32
      %convert_element_type3A_127 = arith.extui %lt3A_126 : i1 to i32
      %cond3A_128 = arith.constant 0 : i32
      %cond3A_129 = arith.cmpi ne, %convert_element_type3A_127, %cond3A_128 : i32
      scf.if %cond3A_129 {
        %dma_wait3A_130 = arith.constant 0 : i32
        %dma_wait3A_131 = tpu.memref_slice %arg5[%dma_wait3A_130] : memref<1024xi32, #tpu.memory_space<vmem>> -> memref<16xi32, #tpu.memory_space<vmem>>
        %dma_wait3A_132 = arith.constant 0 : i32
        %dma_wait3A_133 = arith.constant 0 : i32
        %dma_wait3A_134 = tpu.memref_slice %arg2[%dma_wait3A_132, %dma_wait3A_133] : memref<151936x1024xf32, #tpu.memory_space<hbm>> -> memref<151936x1024xf32, #tpu.memory_space<hbm>>
        tpu.wait_indirect_dma semaphore(%arg19 : memref<!tpu.dma_semaphore, #tpu.memory_space<semaphore_mem>>) src(%dma_wait3A_134 : memref<151936x1024xf32, #tpu.memory_space<hbm>>) dst(%arg12 : memref<16x1024xf32, #tpu.memory_space<vmem>>)
        %mul3A_135 = arith.constant 16 : i32
        %mul3A_136 = arith.muli %add3A_124, %mul3A_135 : i32
        %add3A_137 = arith.addi %mul3A_2, %mul3A_136 : i32
        %dma_start3A_138 = arith.constant 0 : i32
        %dma_start3A_139 = tpu.memref_slice %arg4[%add3A_137, %dma_start3A_138] : memref<32768x1024xf32, #tpu.memory_space<hbm>> -> memref<16x1024xf32, #tpu.memory_space<hbm>>
        %dma_start3A_140 = arith.constant 0 : i32
        %dma_start3A_141 = tpu.memref_slice %arg4[%add3A_137, %dma_start3A_140] : memref<32768x1024xf32, #tpu.memory_space<hbm>> -> memref<16x1024xf32, #tpu.memory_space<hbm>>
        tpu.enqueue_dma source(%arg12 : memref<16x1024xf32, #tpu.memory_space<vmem>>) target(%dma_start3A_141 : memref<16x1024xf32, #tpu.memory_space<hbm>>) target_semaphore(%arg26 : memref<!tpu.dma_semaphore, #tpu.memory_space<semaphore_mem>>)
        %add3A_142 = arith.constant 7 : i32
        %add3A_143 = arith.addi %add3A_124, %add3A_142 : i32
        %lt3A_144 = arith.constant 64 : i32
        %lt3A_145 = arith.cmpi slt, %add3A_143, %lt3A_144 : i32
        %convert_element_type3A_146 = arith.extui %lt3A_145 : i1 to i32
        %cond3A_147 = arith.constant 0 : i32
        %cond3A_148 = arith.cmpi ne, %convert_element_type3A_146, %cond3A_147 : i32
        scf.if %cond3A_148 {
          %mul3A_149 = arith.constant 16 : i32
          %mul3A_150 = arith.muli %add3A_124, %mul3A_149 : i32
          %add3A_151 = arith.addi %mul3A_2, %mul3A_150 : i32
          %dma_wait3A_152 = arith.constant 0 : i32
          %dma_wait3A_153 = tpu.memref_slice %arg4[%add3A_151, %dma_wait3A_152] : memref<32768x1024xf32, #tpu.memory_space<hbm>> -> memref<16x1024xf32, #tpu.memory_space<hbm>>
          %dma_wait3A_154 = arith.constant 0 : i32
          %dma_wait3A_155 = tpu.memref_slice %arg4[%add3A_151, %dma_wait3A_154] : memref<32768x1024xf32, #tpu.memory_space<hbm>> -> memref<16x1024xf32, #tpu.memory_space<hbm>>
          tpu.wait_dma2 semaphore(%arg26 : memref<!tpu.dma_semaphore, #tpu.memory_space<semaphore_mem>>) src(%arg12 : memref<16x1024xf32, #tpu.memory_space<vmem>>) dst(%dma_wait3A_155 : memref<16x1024xf32, #tpu.memory_space<hbm>>)
          %add3A_156 = arith.constant 7 : i32
          %add3A_157 = arith.addi %add3A_124, %add3A_156 : i32
          %mul3A_158 = arith.constant 16 : i32
          %mul3A_159 = arith.muli %add3A_157, %mul3A_158 : i32
          %dma_start3A_160 = tpu.memref_slice %arg5[%mul3A_159] : memref<1024xi32, #tpu.memory_space<vmem>> -> memref<16xi32, #tpu.memory_space<vmem>>
          %dma_start3A_161 = arith.constant 0 : i32
          %dma_start3A_162 = arith.constant 0 : i32
          %dma_start3A_163 = tpu.memref_slice %arg2[%dma_start3A_161, %dma_start3A_162] : memref<151936x1024xf32, #tpu.memory_space<hbm>> -> memref<151936x1024xf32, #tpu.memory_space<hbm>>
          tpu.enqueue_indirect_dma source(%dma_start3A_163 : memref<151936x1024xf32, #tpu.memory_space<hbm>>) target(%arg12 : memref<16x1024xf32, #tpu.memory_space<vmem>>) offsets(%dma_start3A_160 : memref<16xi32, #tpu.memory_space<vmem>>) semaphore(%arg19 : memref<!tpu.dma_semaphore, #tpu.memory_space<semaphore_mem>>)
        } else {
        }
      } else {
      }
    }
    %scan3A_41 = arith.constant 10 : i32
    %dma_wait3A = arith.constant 0 : i32
    %dma_wait3A_42 = tpu.memref_slice %arg4[%mul3A_2, %dma_wait3A] : memref<32768x1024xf32, #tpu.memory_space<hbm>> -> memref<16x1024xf32, #tpu.memory_space<hbm>>
    %dma_wait3A_43 = arith.constant 0 : i32
    %dma_wait3A_44 = tpu.memref_slice %arg4[%mul3A_2, %dma_wait3A_43] : memref<32768x1024xf32, #tpu.memory_space<hbm>> -> memref<16x1024xf32, #tpu.memory_space<hbm>>
    tpu.wait_dma2 semaphore(%arg20 : memref<!tpu.dma_semaphore, #tpu.memory_space<semaphore_mem>>) src(%arg6 : memref<16x1024xf32, #tpu.memory_space<vmem>>) dst(%dma_wait3A_44 : memref<16x1024xf32, #tpu.memory_space<hbm>>)
    %dma_wait3A_45 = arith.constant 0 : i32
    %dma_wait3A_46 = tpu.memref_slice %arg4[%mul3A_2, %dma_wait3A_45] : memref<32768x1024xf32, #tpu.memory_space<hbm>> -> memref<16x1024xf32, #tpu.memory_space<hbm>>
    %dma_wait3A_47 = arith.constant 0 : i32
    %dma_wait3A_48 = tpu.memref_slice %arg4[%mul3A_2, %dma_wait3A_47] : memref<32768x1024xf32, #tpu.memory_space<hbm>> -> memref<16x1024xf32, #tpu.memory_space<hbm>>
    tpu.wait_dma2 semaphore(%arg21 : memref<!tpu.dma_semaphore, #tpu.memory_space<semaphore_mem>>) src(%arg7 : memref<16x1024xf32, #tpu.memory_space<vmem>>) dst(%dma_wait3A_48 : memref<16x1024xf32, #tpu.memory_space<hbm>>)
    %dma_wait3A_49 = arith.constant 0 : i32
    %dma_wait3A_50 = tpu.memref_slice %arg4[%mul3A_2, %dma_wait3A_49] : memref<32768x1024xf32, #tpu.memory_space<hbm>> -> memref<16x1024xf32, #tpu.memory_space<hbm>>
    %dma_wait3A_51 = arith.constant 0 : i32
    %dma_wait3A_52 = tpu.memref_slice %arg4[%mul3A_2, %dma_wait3A_51] : memref<32768x1024xf32, #tpu.memory_space<hbm>> -> memref<16x1024xf32, #tpu.memory_space<hbm>>
    tpu.wait_dma2 semaphore(%arg22 : memref<!tpu.dma_semaphore, #tpu.memory_space<semaphore_mem>>) src(%arg8 : memref<16x1024xf32, #tpu.memory_space<vmem>>) dst(%dma_wait3A_52 : memref<16x1024xf32, #tpu.memory_space<hbm>>)
    %dma_wait3A_53 = arith.constant 0 : i32
    %dma_wait3A_54 = tpu.memref_slice %arg4[%mul3A_2, %dma_wait3A_53] : memref<32768x1024xf32, #tpu.memory_space<hbm>> -> memref<16x1024xf32, #tpu.memory_space<hbm>>
    %dma_wait3A_55 = arith.constant 0 : i32
    %dma_wait3A_56 = tpu.memref_slice %arg4[%mul3A_2, %dma_wait3A_55] : memref<32768x1024xf32, #tpu.memory_space<hbm>> -> memref<16x1024xf32, #tpu.memory_space<hbm>>
    tpu.wait_dma2 semaphore(%arg23 : memref<!tpu.dma_semaphore, #tpu.memory_space<semaphore_mem>>) src(%arg9 : memref<16x1024xf32, #tpu.memory_space<vmem>>) dst(%dma_wait3A_56 : memref<16x1024xf32, #tpu.memory_space<hbm>>)
    %dma_wait3A_57 = arith.constant 0 : i32
    %dma_wait3A_58 = tpu.memref_slice %arg4[%mul3A_2, %dma_wait3A_57] : memref<32768x1024xf32, #tpu.memory_space<hbm>> -> memref<16x1024xf32, #tpu.memory_space<hbm>>
    %dma_wait3A_59 = arith.constant 0 : i32
    %dma_wait3A_60 = tpu.memref_slice %arg4[%mul3A_2, %dma_wait3A_59] : memref<32768x1024xf32, #tpu.memory_space<hbm>> -> memref<16x1024xf32, #tpu.memory_space<hbm>>
    tpu.wait_dma2 semaphore(%arg24 : memref<!tpu.dma_semaphore, #tpu.memory_space<semaphore_mem>>) src(%arg10 : memref<16x1024xf32, #tpu.memory_space<vmem>>) dst(%dma_wait3A_60 : memref<16x1024xf32, #tpu.memory_space<hbm>>)
    %dma_wait3A_61 = arith.constant 0 : i32
    %dma_wait3A_62 = tpu.memref_slice %arg4[%mul3A_2, %dma_wait3A_61] : memref<32768x1024xf32, #tpu.memory_space<hbm>> -> memref<16x1024xf32, #tpu.memory_space<hbm>>
    %dma_wait3A_63 = arith.constant 0 : i32
    %dma_wait3A_64 = tpu.memref_slice %arg4[%mul3A_2, %dma_wait3A_63] : memref<32768x1024xf32, #tpu.memory_space<hbm>> -> memref<16x1024xf32, #tpu.memory_space<hbm>>
    tpu.wait_dma2 semaphore(%arg25 : memref<!tpu.dma_semaphore, #tpu.memory_space<semaphore_mem>>) src(%arg11 : memref<16x1024xf32, #tpu.memory_space<vmem>>) dst(%dma_wait3A_64 : memref<16x1024xf32, #tpu.memory_space<hbm>>)
    %dma_wait3A_65 = arith.constant 0 : i32
    %dma_wait3A_66 = tpu.memref_slice %arg4[%mul3A_2, %dma_wait3A_65] : memref<32768x1024xf32, #tpu.memory_space<hbm>> -> memref<16x1024xf32, #tpu.memory_space<hbm>>
    %dma_wait3A_67 = arith.constant 0 : i32
    %dma_wait3A_68 = tpu.memref_slice %arg4[%mul3A_2, %dma_wait3A_67] : memref<32768x1024xf32, #tpu.memory_space<hbm>> -> memref<16x1024xf32, #tpu.memory_space<hbm>>
    tpu.wait_dma2 semaphore(%arg26 : memref<!tpu.dma_semaphore, #tpu.memory_space<semaphore_mem>>) src(%arg12 : memref<16x1024xf32, #tpu.memory_space<vmem>>) dst(%dma_wait3A_68 : memref<16x1024xf32, #tpu.memory_space<hbm>>)
    return
  }
}

</mosaic_0001>

<sc_bundles>
// kernel: kernel.3.cloned.1.call-start
scs
__scs_entry_jumppad:
0x0: {  	(pc) =	sbr.rel $0x88, $3  }
0x1: {  	(tag) =	ssettag $0x0;
	lr =	simm.s32 $0x1  }
0x2: {  	[smem:$0x3F9F] =	sst lr;
	_ =	strace $0xD0000000  }
0x3: {  	_ = 	snop  }
0x4: {  	_ = 	snop  }
0x5: {  	_ = 	snop  }
0x6: {  	_ = 	snop  }
0x7: {  	_ = 	snop  }
__scs_overlays_trampoline_lowered:
0x8: {  	[smem:$0x3FAE] =	sst s0  }
0x9: {  	[smem:$0x3FAF] =	sst s1  }
0xa: {  	[smem:$0x3FB0] =	sst s2  }
0xb: {  	[smem:$0x3FB1] =	sst s3  }
0xc: {  	[smem:$0x3FB2] =	sst s4  }
0xd: {  	[smem:$0x3FB3] =	sst s5  }
0xe: {  	[smem:$0x3FB4] =	sst s6  }
0xf: {  	[smem:$0x3FB5] =	sst s7  }
0x10: {  	[smem:$0x3FB6] =	sst s8  }
0x11: {  	[smem:$0x3FB7] =	sst s9;
	s0 =	simm.s32 @!p0 $0x0  }
0x12: {  	s1 =	sld [smem:$0x3F9D];
	s0 =	simm.s32 @p0 $0x1  }
0x13: {  	[smem:$0x3FB8] =	sst s0;
	s0 =	simm.s32 @!p1 $0x0  }
0x14: {  	s2 =	sld [smem:$0x3F9C];
	s0 =	simm.s32 @p1 $0x1  }
0x15: {  	[smem:$0x3FB9] =	sst s0;
	s0 =	simm.s32 @!p2 $0x0  }
0x16: {  	s3 =	sld [smem:$0x3FDB];
	s0 =	simm.s32 @p2 $0x1  }
0x17: {  	s4 =	simm.s32 $0x1BF5;
	[smem:$0x3FBB] =	sst s0  }
0x18: {  	s0 =	sld [smem:$0x3F9E];
	_ =	swait.ge [sflag:s4], $0x0  }
0x19: {  	s7 =	sld [smem:$0x3F9F]  }
0x1a: {  	s8 =	sadd.s32 $0xFFFFE003, lr  }
0x1b: {  	s9 =	sadd.s32 $0xFFFFFEF7, lr;
	s5 =	simm.s32 $0xFFFFFFFF;
	p2 =	slt.u32 s8, $0xFFFFF086  }
0x1c: {  	p1 =	slt.u32 s9, $0xF7A;
	s5 =	simm.s32 @!p2 $0x0  }
0x1d: {  	s5 =	simm.s32 @p1 $0x1;
	p0 =	seq.s32 s7, s2  }
0x1e: {  	s7 =	smul.u32 @!p0 $0xF7A, s2;
	p2 =	seq.s32 @!p0 s5, $0x0  }
0x1f: {  	s9 =	smul.u32 $0xF7A, s1;
	s8 =	simm.s32 @!p0 $0x1BF5;
	p2 =	por !p2, p0  }
0x20: {  	[sflag:s8] =	ssyncset.s32 @!p0 $0xFFFFF086;
	s6 =	sadd.s32 @!p0 s3, s7;
	s7 =	simm.s32 @!p0 $0x108  }
0x21: {  	s3 =	sadd.s32 s3, s9;
	s6 =	sadd.s32 @!p0 $0x88, s6;
	s7 =	simm.s32 @p2 $0x1082  }
0x22: {  	[simem:s7], [sflag:s8] =	dma.local @!p0 [hbm:s6], $0xF7A  }
0x23: {  	s9 =	sor.u32 $0xD0000000, s2;
	s6 =	simm.s32 $0x108;
	_ =	swait.ge @!p0 [sflag:s8], $0x0  }
0x24: {  	s3 =	sadd.s32 $0x88, s3;
	s6 =	simm.s32 @!p1 $0x1082;
	[sflag:s4] =	ssyncset.s32 $0xFFFFF086  }
0x25: {  	[simem:s6], [sflag:s4] =	dma.local [hbm:s3], $0xF7A  }
0x26: {  	[smem:$0x3F9F] =	sst s1;
	(tag) =	ssettag s2;
	_ =	strace s9  }
0x27: {  	s1 =	sld [smem:$0x3FAF]  }
0x28: {  	s2 =	sld [smem:$0x3FB0]  }
0x29: {  	s4 =	sld [smem:$0x3FB2]  }
0x2a: {  	p0 =	seq.s32 s5, $0x0;
	s5 =	sld [smem:$0x3FB3]  }
0x2b: {  	s6 =	sld [smem:$0x3FB4]  }
0x2c: {  	s7 =	sld [smem:$0x3FB5]  }
0x2d: {  	s3 =	simm.s32 $0x108;
	s8 =	sld [smem:$0x3FB6]  }
0x2e: {  	s3 =	simm.s32 @!p0 $0x1082;
	s9 =	sld [smem:$0x3FB7]  }
0x2f: {  	lr =	sadd.s32 s0, s3;
	s0 =	sld [smem:$0x3FAE]  }
0x30: {  	s3 =	sld [smem:$0x3FB1]  }
0x31: {  	[smem:$0x3FBA] =	sst s10  }
0x32: {  	s10 =	sld [smem:$0x3FB8];
	_ =	sdelay $0x3  }
0x33: {  	p0 =	seq.s32 s10, $0x1;
	s10 =	sld [smem:$0x3FBA];
	_ =	sdelay $0x3  }
0x34: {  	[smem:$0x3FBA] =	sst s10  }
0x35: {  	s10 =	sld [smem:$0x3FB9];
	_ =	sdelay $0x3  }
0x36: {  	p1 =	seq.s32 s10, $0x1;
	s10 =	sld [smem:$0x3FBA];
	_ =	sdelay $0x3  }
0x37: {  	[smem:$0x3FBA] =	sst s10  }
0x38: {  	s10 =	sld [smem:$0x3FBB]  }
0x39: {  	_ = 	snop;
	(pc) =	sbr.ind lr, $3  }
0x3a: {  	_ = 	snop  }
0x3b: {  	_ = 	snop  }
0x3c: {  	p2 =	seq.s32 s10, $0x1;
	s10 =	sld [smem:$0x3FBA]  }
0x3d: {  	_ =	shalt  }
0x3e: {  	_ =	shalt  }
0x3f: {  	_ =	shalt  }
0x40: {  	_ =	shalt  }
0x41: {  	_ =	shalt  }
0x42: {  	_ =	shalt  }
0x43: {  	_ =	shalt  }
0x44: {  	_ =	shalt  }
0x45: {  	_ =	shalt  }
0x46: {  	_ =	shalt  }
0x47: {  	_ =	shalt  }
0x48: {  	_ =	shalt  }
0x49: {  	_ =	shalt  }
0x4a: {  	_ =	shalt  }
0x4b: {  	_ =	shalt  }
0x4c: {  	_ =	shalt  }
0x4d: {  	_ =	shalt  }
0x4e: {  	_ =	shalt  }
0x4f: {  	_ =	shalt  }
0x50: {  	_ =	shalt  }
0x51: {  	_ =	shalt  }
0x52: {  	_ =	shalt  }
0x53: {  	_ =	shalt  }
0x54: {  	_ =	shalt  }
0x55: {  	_ =	shalt  }
0x56: {  	_ =	shalt  }
0x57: {  	_ =	shalt  }
0x58: {  	_ =	shalt  }
0x59: {  	_ =	shalt  }
0x5a: {  	_ =	shalt  }
0x5b: {  	_ =	shalt  }
0x5c: {  	_ =	shalt  }
0x5d: {  	_ =	shalt  }
0x5e: {  	_ =	shalt  }
0x5f: {  	_ =	shalt  }
0x60: {  	_ =	shalt  }
0x61: {  	_ =	shalt  }
0x62: {  	_ =	shalt  }
0x63: {  	_ =	shalt  }
0x64: {  	_ =	shalt  }
0x65: {  	_ =	shalt  }
0x66: {  	_ =	shalt  }
0x67: {  	_ =	shalt  }
0x68: {  	_ =	shalt  }
0x69: {  	_ =	shalt  }
0x6a: {  	_ =	shalt  }
0x6b: {  	_ =	shalt  }
0x6c: {  	_ =	shalt  }
0x6d: {  	_ =	shalt  }
0x6e: {  	_ =	shalt  }
0x6f: {  	_ =	shalt  }
0x70: {  	_ =	shalt  }
0x71: {  	_ =	shalt  }
0x72: {  	_ =	shalt  }
0x73: {  	_ =	shalt  }
0x74: {  	_ =	shalt  }
0x75: {  	_ =	shalt  }
0x76: {  	_ =	shalt  }
0x77: {  	_ =	shalt  }
0x78: {  	_ =	shalt  }
0x79: {  	_ =	shalt  }
0x7a: {  	_ =	shalt  }
0x7b: {  	_ =	shalt  }
0x7c: {  	_ =	shalt  }
0x7d: {  	_ =	shalt  }
0x7e: {  	_ =	shalt  }
0x7f: {  	_ =	shalt  }
0x80: {  	_ =	shalt  }
0x81: {  	_ =	shalt  }
0x82: {  	_ =	shalt  }
0x83: {  	_ =	shalt  }
0x84: {  	_ =	shalt  }
0x85: {  	_ =	shalt  }
0x86: {  	_ =	shalt  }
0x87: {  	_ =	shalt  }
.Lfunc_end0:
.L_simem_size_0:
called_computation_lowered:
.L_overlay_start_0:
0x88: {  	s2 =	sld [smem:$0x3FD9]  }
0x89: {  	s3 =	sld [smem:$0x3FFE];
	_ =	sdelay $0x1  }
0x8a: {  	s1 =	srdreg.scid  }
0x8b: {  	s0 =	sand.u32 $0x1, s1  }
0x8c: {  	s17 =	sshll.u32 s0, $0xA;
	s2 =	sadd.s32 s3, s2  }
0x8d: {  	s2 =	sadd.s32 s2, s17  }
0x8e: {  	[smem:$0x3FC6] =	sst s2  }
0x8f: {  	_ = 	snop  }
0x90: {  	s2 =	sld [smem:$0x3FC8]  }
0x91: {  	s18 =	sld [smem:$0x3FD0];
	(tm) =	ssettm $0x1  }
0x92: {  	s4 =	sld [smem:$0x3FFB];
	_ =	sdelay $0x3  }
0x93: {  	_ =	strace s4  }
0x94: {  	s4 =	sld [smem:$0x3FFC];
	_ =	sdelay $0x3  }
0x95: {  	_ =	strace s4  }
0x96: {  	s4 =	sld [smem:$0x3FFD];
	_ =	sdelay $0x3  }
0x97: {  	_ =	strace s4  }
0x98: {  	_ =	strace $0x8FFFFFFF  }
0x99: {  	s19 =	sld [smem:$0x3FDB];
	_ =	sdelay $0x1  }
0x9a: {  	s5 =	simm.s32 $_scs_section_size  }
0x9b: {  	s6 =	simm.s32 $_size__tile_overlayer_lowered;
	s7 =	simm.s32 $_tile_overlayer_lowered  }
0x9c: {  	s22 =	simm.s32 $0x1BFF;
	s21 =	sshll.u32 s7, $0x1;
	s4 =	sadd.s32 s5, s19  }
0x9d: {  	s8 =	simm.s32 $0x0;
	s20 =	sshll.u32 s6, $0x1;
	s6 =	sadd.s32 s21, s4  }
0x9e: {  	[timem:s8], [sflag:s22] =	dma.local [hbm:s6], s20  }
0x9f: {  	_ =	swait.ge [sflag:s22], s20  }
0xa0: {  	s5 =	ssub.s32 $0x0, s20;
	[sflag:s22] =	ssyncset.done $0x0  }
0xa1: {  	[sflag:s22] =	ssyncadd.s32 s5;
	_ =	sdelay $0x1  }
0xa2: {  	s23 =	simm.s32 $0x1B8B  }
0xa3: {  	_ =	swait.ge [sflag:s23], $0x1  }
0xa4: {  	[sflag:s23] =	ssyncset.done $0x0  }
0xa5: {  	s25 =	simm.s32 $0x1B8E;
	s24 =	sld [smem:$0x3FFE];
	[sflag:s23] =	ssyncadd.s32 $0xFFFFFFFF  }
0xa6: {  	s26 =	simm.s32 $execute0_lowered;
	[smem:$0x3FD2] =	sst s25  }
0xa7: {  	s6 =	sshll.u32 s26, $0x1;
	_ =	strace $0x80000046;
	[dreg:$0x1] =	wrdreg $0xFFFFFFFF  }
0xa8: {  	s28 =	simm.s32 $_size_execute0_lowered;
	s4 =	sadd.s32 s4, s6;
	[dreg:$0x0] =	wrdreg $0x0  }
0xa9: {  	s6 =	sshll.u32 s28, $0x1;
	[dreg:$0x2] =	wrdreg s4  }
0xaa: {  	[dreg:$0x3] =	wrdreg s6  }
0xab: {  	[dreg:$0x4] =	wrdreg $0xC0  }
0xac: {  	_ =	task [dreg:s8], $0x5FFFF  }
0xad: {  	[dreg:$0x1] =	wrdreg $0xFFFFFFFF  }
0xae: {  	[dreg:$0x0] =	wrdreg $0x60  }
0xaf: {  	[dreg:$0x2] =	wrdreg s2  }
0xb0: {  	[dreg:$0x3] =	wrdreg s24  }
0xb1: {  	[dreg:$0x4] =	wrdreg s18  }
0xb2: {  	[dreg:$0x5] =	wrdreg $0x9  }
0xb3: {  	_ =	task.clear_ibuf [dreg:s8], $0x6FFFF;
	_ =	strace $0x90000046  }
0xb4: {  	s29 =	simm.s32 $0x9;
	_ =	strace $0x80000048  }
0xb5: {  	_ =	swait.ge [sflag:s29], $0x1  }
0xb6: {  	[sflag:s29] =	ssyncadd.s32 $0xFFFFFFFF  }
0xb7: {  	_ =	strace $0x90000048  }
0xb8: {  	_ =	sfence  }
0xb9: {  	s30 =	sld [smem:$0x0];
	_ =	sdelay $0x2  }
0xba: {  	s31 =	sshll.u32 s1, $0xD;
	s1 =	sshrl.u32 s1, $0x2  }
0xbb: {  	s3 =	sand.u32 $0x4000, s31;
	s1 =	sadd.s32 s1, s30  }
0xbc: {  	s0 =	sor.u32 s3, s0;
	s1 =	sshll.u32 s1, $0x11  }
0xbd: {  	s0 =	sor.u32 s1, s0  }
0xbe: {  	s0 =	sadd.s32 $0x8F2B, s0  }
0xbf: {  	[sflag:s0] =	ssyncadd.remote.s32 $0x1  }
0xc0: {  	_ =	sfence.sel $0xFFFF  }
0xc1: {  	[dreg:$0x0] =	wrdreg $0xFFFFFFFF;
	(pc) =	sbr.abs _section_cstart, $3  }
0xc2: {  	[dreg:$0x1] =	wrdreg $0xFFFFFFFF  }
0xc3: {  	_ =	task.clear_ibuf [dreg:s8], $0x2FFFF;
	_ =	strace $0x9FFFFFFF  }
0xc4: {  	(tm) =	ssettm $0x7FFFFFFF  }
0xc5: {  	_ =	shalt  }
tec
execute0_lowered:
.L_overlay_start_1:
0x0: {  	(tag) =	ssettag $0x1  }
0x1: {  	s2 =	rddreg [dreg:$0x0]  }
0x2: {  	s0 =	rddreg [dreg:$0x1]  }
0x3: {  	s1 =	srdreg.scid;
	s4 =	rddreg [dreg:$0x2]  }
0x4: {  	s10 =	stileid.u32;
	s3 =	simm.s32 $0x0;
	s17 =	simm.s32 $0x400  }
0x5: {  	s28 =	simm.s32 $0x10400;
	s18 =	simm.s32 $0x14400;
	s29 =	simm.s32 $0x1  }
0x6: {  	s30 =	simm.s32 $0x8;
	s21 =	simm.s32 $0x2;
	s16 =	simm.s32 $0x0  }
0x7: {  	s20 =	simm.s32 $0x18400;
	s1 =	sand.u32 $0x1, s1;
	s5 =	sshll.u32 s10, $0xB  }
0x8: {  	[smem:$0x7FF] =	sst s3;
	s23 =	sshll.u32 s10, $0x12;
	s10 =	sshll.u32 s10, $0x15  }
0x9: {  	s6 =	sshll.u32 s1, $0xA;
	s22 =	ssub.s32 $0x2, s1;
	_ =	strace $0x80000047  }
0xa: {  	s9 =	sshll.u32 s1, $0x11;
	s1 =	sshll.u32 s1, $0x14;
	s5 =	sor.u32 s6, s5  }
0xb: {  	s7 =	sshrl.u32 s22, $0x1;
	s6 =	sadd.s32 $0x200, s2;
	s24 =	sor.u32 s1, s10  }
0xc: {  	s5 =	sshrl.u32 s5, $0x3;
	s8 =	ssub.s32 s22, s7;
	s7 =	sadd.s32 $0x300, s2  }
0xd: {  	s1 =	sor.u32 $0x4000, s24;
	s25 =	sor.u32 $0xC000, s24;
	s10 =	sor.u32 $0x18000, s24  }
0xe: {  	s26 =	sor.u32 $0x10000, s24;
	s31 =	sor.u32 $0x8000, s24;
	s22 =	simm.s32 $0x3  }
0xf: {  	s0 =	sadd.s32 s5, s0;
	s5 =	sadd.s32 $0x100, s2;
	s8 =	smax.u32 s8, $0x1  }
0x10: {  	s1 =	sshrl.u32 s1, $0x3;
	s12 =	sshrl.u32 s10, $0x3;
	s10 =	simm.s32 $0x18400  }
0x11: {  	s0 =	sadd.s32 $0x400, s0;
	[dreg:$0x5] =	wrdreg s8;
	s8 =	sshrl.u32 s25, $0x3  }
0x12: {  	s19 =	sadd.s32 s1, s4;
	s12 =	sadd.s32 s12, s4;
	s1 =	sshrl.u32 s26, $0x3  }
0x13: {  	s26 =	simm.s32 $0x8400;
	s25 =	simm.s32 $0x6;
	[dreg:$0x4] =	wrdreg s0  }
.Ltmp0:
0x14: {  	s0 =	sadd.s32 s23, s4;
	s11 =	sadd.s32 s8, s4;
	(pc) =	sbr.rel .LBB2_1-.Ltmp0, $4  }
0x15: {  	s8 =	sshrl.u32 s31, $0x3;
	s13 =	sadd.s32 s1, s4;
	s1 =	simm.s32 $0x4400  }
0x16: {  	v2 =	vlaneseq.u32;
	s23 =	simm.s32 $0x4;
	s9 =	sadd.s32 s9, s0;
	s0 =	sor.u32 $0x14000, s24  }
0x17: {  	vm0 =	vmmov $0xffff;
	v1 =	vshrl.u32 v2, $0x3;
	s14 =	sadd.s32 s8, s4;
	s8 =	simm.s32 $0xC400;
	s0 =	sshrl.u32 s0, $0x3  }
0x18: {  	v0 =	vand.u32 $0x7, v2;
	v2 =	vor.u32 $0x8, v2;
	v1 =	vmul.u32 $0x8, v1;
	s24 =	simm.s32 $0x5;
	s15 =	sadd.s32 s0, s4;
	s4 =	simm.s32 $0x7  }
.LBB2_13:
0x19: {  	_ =	swait.ge [sflag:s30], $0x4000  }
0x1a: {  	[sflag:s30] =	ssyncset.done $0x0  }
0x1b: {  	s0 =	simm.s32 $0x9;
	[sflag:s30] =	ssyncadd.s32 $0xFFFFC000  }
0x1c: {  	_ =	swait.ge [sflag:s0], $0x4000  }
0x1d: {  	[sflag:s0] =	ssyncset.done $0x0  }
0x1e: {  	s16 =	simm.s32 $0xA;
	[sflag:s0] =	ssyncadd.s32 $0xFFFFC000  }
0x1f: {  	_ =	swait.ge [sflag:s16], $0x4000  }
0x20: {  	[sflag:s16] =	ssyncset.done $0x0  }
0x21: {  	s31 =	simm.s32 $0xB;
	[sflag:s16] =	ssyncadd.s32 $0xFFFFC000  }
0x22: {  	_ =	swait.ge [sflag:s31], $0x4000  }
0x23: {  	[sflag:s31] =	ssyncset.done $0x0  }
0x24: {  	s1 =	simm.s32 $0xC;
	[sflag:s31] =	ssyncadd.s32 $0xFFFFC000  }
0x25: {  	_ =	swait.ge [sflag:s1], $0x4000  }
0x26: {  	[sflag:s1] =	ssyncset.done $0x0  }
0x27: {  	s16 =	simm.s32 $0xD;
	[sflag:s1] =	ssyncadd.s32 $0xFFFFC000  }
0x28: {  	_ =	swait.ge [sflag:s16], $0x4000  }
0x29: {  	[sflag:s16] =	ssyncset.done $0x0  }
0x2a: {  	s1 =	simm.s32 $0xE;
	[sflag:s16] =	ssyncadd.s32 $0xFFFFC000  }
0x2b: {  	_ =	swait.ge [sflag:s1], $0x4000  }
0x2c: {  	s16 =	rddreg [dreg:$0x6]  }
0x2d: {  	s31 =	rddreg [dreg:$0x5];
	s16 =	sadd.s32 $0x1, s16  }
0x2e: {  	p0 =	sne.s32 s16, s31  }
.Ltmp1:
0x2f: {  	_ = 	snop;
	(pc) =	sbr.rel @!p0 .LBB2_14-.Ltmp1, $3  }
0x30: {  	_ =	sdelay $0x1  }
0x31: {  	[sflag:s1] =	ssyncset.done $0x0  }
0x32: {  	[sflag:s1] =	ssyncadd.s32 $0xFFFFC000;
	s1 =	simm.s32 $0x4400  }
.LBB2_1:
0x33: {  	[dreg:$0x6] =	wrdreg s16  }
0x34: {  	s0 =	rddreg [dreg:$0x4];
	s16 =	simm.s32 $0xF  }
0x35: {  	[tilespmem:s3], [sflag:$0xF] =	stream.linear.gather [hbm4b:s0+s3], $0x400, $0x38;
	[tilespmem:$0x1C400] =	vst v63  }
0x36: {  	_ =	swait.ge [sflag:s16], $0x400  }
0x37: {  	[sflag:s16] =	ssyncset.done $0x0  }
0x38: {  	[sflag:s16] =	ssyncadd.s32 $0xFFFFFC00  }
0x39: {  	v3 =	vld [tilespmem:$0x0];
	_ =	sdelay $0x4  }
0x3a: {  	v4 =	vshll.u32 v3, $0x3  }
0x3b: {  	v3 =	vand.u32 $0x7, v3;
	v4 =	vand.u32 $0xFFFFFFC0, v4  }
0x3c: {  	v3 =	vor.u32 v3, v4  }
0x3d: {  	v4 =	vperm.xlane v3, v0;
	_ =	sdelay $0x1  }
0x3e: {  	v4 =	vadd.s32 v1, v4;
	_ =	sdelay $0x4  }
0x3f: {  	[tilespmem:s17], [sflag:$0x1] =	stream.indirect_vreg.gather [hbm4b:s2+s3], $0x80, v4, vm0, $0xb8;
	[tilespmem:$0x1C400] =	vst v63  }
0x40: {  	s16 =	simm.s32 $0xC00;
	v3 =	vperm.xlane v3, v2  }
0x41: {  	[tilespmem:s16], [sflag:$0x1] =	stream.indirect_vreg.gather [hbm4b:s5+s3], $0x80, v4, vm0, $0xb8;
	[tilespmem:$0x1C400] =	vst v63  }
0x42: {  	v3 =	vadd.s32 v1, v3;
	s16 =	simm.s32 $0x1400  }
0x43: {  	[tilespmem:s16], [sflag:$0x1] =	stream.indirect_vreg.gather [hbm4b:s6+s3], $0x80, v4, vm0, $0xb8;
	[tilespmem:$0x1C400] =	vst v63  }
0x44: {  	s16 =	simm.s32 $0x1C00  }
0x45: {  	[tilespmem:s16], [sflag:$0x1] =	stream.indirect_vreg.gather [hbm4b:s7+s3], $0x80, v4, vm0, $0xb8;
	[tilespmem:$0x1C400] =	vst v63  }
0x46: {  	s16 =	simm.s32 $0x2400  }
0x47: {  	[tilespmem:s16], [sflag:$0x1] =	stream.indirect_vreg.gather [hbm4b:s2+s3], $0x80, v3, vm0, $0xb8;
	[tilespmem:$0x1C400] =	vst v63  }
0x48: {  	s16 =	simm.s32 $0x2C00  }
0x49: {  	[tilespmem:s16], [sflag:$0x1] =	stream.indirect_vreg.gather [hbm4b:s5+s3], $0x80, v3, vm0, $0xb8;
	[tilespmem:$0x1C400] =	vst v63  }
0x4a: {  	s16 =	simm.s32 $0x3400  }
0x4b: {  	[tilespmem:s16], [sflag:$0x1] =	stream.indirect_vreg.gather [hbm4b:s6+s3], $0x80, v3, vm0, $0xb8;
	[tilespmem:$0x1C400] =	vst v63  }
0x4c: {  	s16 =	simm.s32 $0x3C00  }
0x4d: {  	[tilespmem:s16], [sflag:$0x1] =	stream.indirect_vreg.gather [hbm4b:s7+s3], $0x80, v3, vm0, $0xb8;
	[tilespmem:$0x1C400] =	vst v63  }
0x4e: {  	v3 =	vld [tilespmem:$0x10];
	_ =	sdelay $0x4  }
0x4f: {  	v58 =	vshll.u32 v3, $0x3  }
0x50: {  	v3 =	vand.u32 $0x7, v3;
	v4 =	vand.u32 $0xFFFFFFC0, v58  }
0x51: {  	v3 =	vor.u32 v3, v4  }
0x52: {  	v4 =	vperm.xlane v3, v0;
	_ =	sdelay $0x1  }
0x53: {  	v4 =	vadd.s32 v1, v4;
	_ =	sdelay $0x4  }
0x54: {  	[tilespmem:s1], [sflag:$0x2] =	stream.indirect_vreg.gather [hbm4b:s2+s3], $0x80, v4, vm0, $0xb8;
	[tilespmem:$0x1C400] =	vst v63  }
0x55: {  	v3 =	vperm.xlane v3, v2;
	s1 =	simm.s32 $0x4C00  }
0x56: {  	[tilespmem:s1], [sflag:$0x2] =	stream.indirect_vreg.gather [hbm4b:s5+s3], $0x80, v4, vm0, $0xb8;
	[tilespmem:$0x1C400] =	vst v63  }
0x57: {  	s16 =	simm.s32 $0x5400;
	v3 =	vadd.s32 v1, v3  }
0x58: {  	[tilespmem:s16], [sflag:$0x2] =	stream.indirect_vreg.gather [hbm4b:s6+s3], $0x80, v4, vm0, $0xb8;
	[tilespmem:$0x1C400] =	vst v63  }
0x59: {  	s1 =	simm.s32 $0x5C00  }
0x5a: {  	[tilespmem:s1], [sflag:$0x2] =	stream.indirect_vreg.gather [hbm4b:s7+s3], $0x80, v4, vm0, $0xb8;
	[tilespmem:$0x1C400] =	vst v63  }
0x5b: {  	s16 =	simm.s32 $0x6400  }
0x5c: {  	[tilespmem:s16], [sflag:$0x2] =	stream.indirect_vreg.gather [hbm4b:s2+s3], $0x80, v3, vm0, $0xb8;
	[tilespmem:$0x1C400] =	vst v63  }
0x5d: {  	s1 =	simm.s32 $0x6C00  }
0x5e: {  	[tilespmem:s1], [sflag:$0x2] =	stream.indirect_vreg.gather [hbm4b:s5+s3], $0x80, v3, vm0, $0xb8;
	[tilespmem:$0x1C400] =	vst v63  }
0x5f: {  	s16 =	simm.s32 $0x7400  }
0x60: {  	[tilespmem:s16], [sflag:$0x2] =	stream.indirect_vreg.gather [hbm4b:s6+s3], $0x80, v3, vm0, $0xb8;
	[tilespmem:$0x1C400] =	vst v63  }
0x61: {  	s1 =	simm.s32 $0x7C00  }
0x62: {  	[tilespmem:s1], [sflag:$0x2] =	stream.indirect_vreg.gather [hbm4b:s7+s3], $0x80, v3, vm0, $0xb8;
	[tilespmem:$0x1C400] =	vst v63  }
0x63: {  	v3 =	vld [tilespmem:$0x20];
	_ =	sdelay $0x4  }
0x64: {  	v59 =	vshll.u32 v3, $0x3  }
0x65: {  	v3 =	vand.u32 $0x7, v3;
	v4 =	vand.u32 $0xFFFFFFC0, v59  }
0x66: {  	v3 =	vor.u32 v3, v4  }
0x67: {  	v4 =	vperm.xlane v3, v0;
	_ =	sdelay $0x1  }
0x68: {  	v4 =	vadd.s32 v1, v4;
	_ =	sdelay $0x4  }
0x69: {  	[tilespmem:s26], [sflag:$0x3] =	stream.indirect_vreg.gather [hbm4b:s2+s3], $0x80, v4, vm0, $0xb8;
	[tilespmem:$0x1C400] =	vst v63  }
0x6a: {  	s16 =	simm.s32 $0x8C00;
	v3 =	vperm.xlane v3, v2  }
0x6b: {  	[tilespmem:s16], [sflag:$0x3] =	stream.indirect_vreg.gather [hbm4b:s5+s3], $0x80, v4, vm0, $0xb8;
	[tilespmem:$0x1C400] =	vst v63  }
0x6c: {  	s1 =	simm.s32 $0x9400;
	v3 =	vadd.s32 v1, v3  }
0x6d: {  	[tilespmem:s1], [sflag:$0x3] =	stream.indirect_vreg.gather [hbm4b:s6+s3], $0x80, v4, vm0, $0xb8;
	[tilespmem:$0x1C400] =	vst v63  }
0x6e: {  	s16 =	simm.s32 $0x9C00  }
0x6f: {  	[tilespmem:s16], [sflag:$0x3] =	stream.indirect_vreg.gather [hbm4b:s7+s3], $0x80, v4, vm0, $0xb8;
	[tilespmem:$0x1C400] =	vst v63  }
0x70: {  	s1 =	simm.s32 $0xA400  }
0x71: {  	[tilespmem:s1], [sflag:$0x3] =	stream.indirect_vreg.gather [hbm4b:s2+s3], $0x80, v3, vm0, $0xb8;
	[tilespmem:$0x1C400] =	vst v63  }
0x72: {  	s16 =	simm.s32 $0xAC00  }
0x73: {  	[tilespmem:s16], [sflag:$0x3] =	stream.indirect_vreg.gather [hbm4b:s5+s3], $0x80, v3, vm0, $0xb8;
	[tilespmem:$0x1C400] =	vst v63  }
0x74: {  	s1 =	simm.s32 $0xB400  }
0x75: {  	[tilespmem:s1], [sflag:$0x3] =	stream.indirect_vreg.gather [hbm4b:s6+s3], $0x80, v3, vm0, $0xb8;
	[tilespmem:$0x1C400] =	vst v63  }
0x76: {  	s16 =	simm.s32 $0xBC00  }
0x77: {  	[tilespmem:s16], [sflag:$0x3] =	stream.indirect_vreg.gather [hbm4b:s7+s3], $0x80, v3, vm0, $0xb8;
	[tilespmem:$0x1C400] =	vst v63  }
0x78: {  	v3 =	vld [tilespmem:$0x30];
	_ =	sdelay $0x4  }
0x79: {  	v60 =	vshll.u32 v3, $0x3  }
0x7a: {  	v3 =	vand.u32 $0x7, v3;
	v4 =	vand.u32 $0xFFFFFFC0, v60  }
0x7b: {  	v3 =	vor.u32 v3, v4  }
0x7c: {  	v4 =	vperm.xlane v3, v0;
	_ =	sdelay $0x1  }
0x7d: {  	v4 =	vadd.s32 v1, v4;
	_ =	sdelay $0x4  }
0x7e: {  	[tilespmem:s8], [sflag:$0x4] =	stream.indirect_vreg.gather [hbm4b:s2+s3], $0x80, v4, vm0, $0xb8;
	[tilespmem:$0x1C400] =	vst v63  }
0x7f: {  	s1 =	simm.s32 $0xCC00;
	v3 =	vperm.xlane v3, v2  }
0x80: {  	[tilespmem:s1], [sflag:$0x4] =	stream.indirect_vreg.gather [hbm4b:s5+s3], $0x80, v4, vm0, $0xb8;
	[tilespmem:$0x1C400] =	vst v63  }
0x81: {  	s16 =	simm.s32 $0xD400;
	v3 =	vadd.s32 v1, v3  }
0x82: {  	[tilespmem:s16], [sflag:$0x4] =	stream.indirect_vreg.gather [hbm4b:s6+s3], $0x80, v4, vm0, $0xb8;
	[tilespmem:$0x1C400] =	vst v63  }
0x83: {  	s1 =	simm.s32 $0xDC00  }
0x84: {  	[tilespmem:s1], [sflag:$0x4] =	stream.indirect_vreg.gather [hbm4b:s7+s3], $0x80, v4, vm0, $0xb8;
	[tilespmem:$0x1C400] =	vst v63  }
0x85: {  	s16 =	simm.s32 $0xE400  }
0x86: {  	[tilespmem:s16], [sflag:$0x4] =	stream.indirect_vreg.gather [hbm4b:s2+s3], $0x80, v3, vm0, $0xb8;
	[tilespmem:$0x1C400] =	vst v63  }
0x87: {  	s1 =	simm.s32 $0xEC00  }
0x88: {  	[tilespmem:s1], [sflag:$0x4] =	stream.indirect_vreg.gather [hbm4b:s5+s3], $0x80, v3, vm0, $0xb8;
	[tilespmem:$0x1C400] =	vst v63  }
0x89: {  	s16 =	simm.s32 $0xF400  }
0x8a: {  	[tilespmem:s16], [sflag:$0x4] =	stream.indirect_vreg.gather [hbm4b:s6+s3], $0x80, v3, vm0, $0xb8;
	[tilespmem:$0x1C400] =	vst v63  }
0x8b: {  	s1 =	simm.s32 $0xFC00  }
0x8c: {  	[tilespmem:s1], [sflag:$0x4] =	stream.indirect_vreg.gather [hbm4b:s7+s3], $0x80, v3, vm0, $0xb8;
	[tilespmem:$0x1C400] =	vst v63  }
0x8d: {  	v3 =	vld [tilespmem:$0x40];
	_ =	sdelay $0x4  }
0x8e: {  	v61 =	vshll.u32 v3, $0x3  }
0x8f: {  	v3 =	vand.u32 $0x7, v3;
	v4 =	vand.u32 $0xFFFFFFC0, v61  }
0x90: {  	v3 =	vor.u32 v3, v4  }
0x91: {  	v4 =	vperm.xlane v3, v0;
	_ =	sdelay $0x1  }
0x92: {  	v4 =	vadd.s32 v1, v4;
	_ =	sdelay $0x4  }
0x93: {  	[tilespmem:s28], [sflag:$0x5] =	stream.indirect_vreg.gather [hbm4b:s2+s3], $0x80, v4, vm0, $0xb8;
	[tilespmem:$0x1C400] =	vst v63  }
0x94: {  	s16 =	simm.s32 $0x10C00;
	v3 =	vperm.xlane v3, v2  }
0x95: {  	[tilespmem:s16], [sflag:$0x5] =	stream.indirect_vreg.gather [hbm4b:s5+s3], $0x80, v4, vm0, $0xb8;
	[tilespmem:$0x1C400] =	vst v63  }
0x96: {  	s1 =	simm.s32 $0x11400;
	v3 =	vadd.s32 v1, v3  }
0x97: {  	[tilespmem:s1], [sflag:$0x5] =	stream.indirect_vreg.gather [hbm4b:s6+s3], $0x80, v4, vm0, $0xb8;
	[tilespmem:$0x1C400] =	vst v63  }
0x98: {  	s16 =	simm.s32 $0x11C00  }
0x99: {  	[tilespmem:s16], [sflag:$0x5] =	stream.indirect_vreg.gather [hbm4b:s7+s3], $0x80, v4, vm0, $0xb8;
	[tilespmem:$0x1C400] =	vst v63  }
0x9a: {  	s1 =	simm.s32 $0x12400  }
0x9b: {  	[tilespmem:s1], [sflag:$0x5] =	stream.indirect_vreg.gather [hbm4b:s2+s3], $0x80, v3, vm0, $0xb8;
	[tilespmem:$0x1C400] =	vst v63  }
0x9c: {  	s16 =	simm.s32 $0x12C00  }
0x9d: {  	[tilespmem:s16], [sflag:$0x5] =	stream.indirect_vreg.gather [hbm4b:s5+s3], $0x80, v3, vm0, $0xb8;
	[tilespmem:$0x1C400] =	vst v63  }
0x9e: {  	s1 =	simm.s32 $0x13400  }
0x9f: {  	[tilespmem:s1], [sflag:$0x5] =	stream.indirect_vreg.gather [hbm4b:s6+s3], $0x80, v3, vm0, $0xb8;
	[tilespmem:$0x1C400] =	vst v63  }
0xa0: {  	s16 =	simm.s32 $0x13C00  }
0xa1: {  	[tilespmem:s16], [sflag:$0x5] =	stream.indirect_vreg.gather [hbm4b:s7+s3], $0x80, v3, vm0, $0xb8;
	[tilespmem:$0x1C400] =	vst v63  }
0xa2: {  	v3 =	vld [tilespmem:$0x50];
	_ =	sdelay $0x4  }
0xa3: {  	v62 =	vshll.u32 v3, $0x3  }
0xa4: {  	v3 =	vand.u32 $0x7, v3;
	v4 =	vand.u32 $0xFFFFFFC0, v62  }
0xa5: {  	v3 =	vor.u32 v3, v4  }
0xa6: {  	v4 =	vperm.xlane v3, v0;
	_ =	sdelay $0x1  }
0xa7: {  	v4 =	vadd.s32 v1, v4;
	_ =	sdelay $0x4  }
0xa8: {  	[tilespmem:s18], [sflag:$0x6] =	stream.indirect_vreg.gather [hbm4b:s2+s3], $0x80, v4, vm0, $0xb8;
	[tilespmem:$0x1C400] =	vst v63  }
0xa9: {  	s1 =	simm.s32 $0x14C00;
	v3 =	vperm.xlane v3, v2  }
0xaa: {  	[tilespmem:s1], [sflag:$0x6] =	stream.indirect_vreg.gather [hbm4b:s5+s3], $0x80, v4, vm0, $0xb8;
	[tilespmem:$0x1C400] =	vst v63  }
0xab: {  	s16 =	simm.s32 $0x15400;
	v3 =	vadd.s32 v1, v3  }
0xac: {  	[tilespmem:s16], [sflag:$0x6] =	stream.indirect_vreg.gather [hbm4b:s6+s3], $0x80, v4, vm0, $0xb8;
	[tilespmem:$0x1C400] =	vst v63  }
0xad: {  	s1 =	simm.s32 $0x15C00  }
0xae: {  	[tilespmem:s1], [sflag:$0x6] =	stream.indirect_vreg.gather [hbm4b:s7+s3], $0x80, v4, vm0, $0xb8;
	[tilespmem:$0x1C400] =	vst v63  }
0xaf: {  	s16 =	simm.s32 $0x16400  }
0xb0: {  	[tilespmem:s16], [sflag:$0x6] =	stream.indirect_vreg.gather [hbm4b:s2+s3], $0x80, v3, vm0, $0xb8;
	[tilespmem:$0x1C400] =	vst v63  }
0xb1: {  	s1 =	simm.s32 $0x16C00  }
0xb2: {  	[tilespmem:s1], [sflag:$0x6] =	stream.indirect_vreg.gather [hbm4b:s5+s3], $0x80, v3, vm0, $0xb8;
	[tilespmem:$0x1C400] =	vst v63  }
0xb3: {  	s16 =	simm.s32 $0x17400  }
0xb4: {  	[tilespmem:s16], [sflag:$0x6] =	stream.indirect_vreg.gather [hbm4b:s6+s3], $0x80, v3, vm0, $0xb8;
	[tilespmem:$0x1C400] =	vst v63  }
0xb5: {  	s1 =	simm.s32 $0x17C00  }
0xb6: {  	[tilespmem:s1], [sflag:$0x6] =	stream.indirect_vreg.gather [hbm4b:s7+s3], $0x80, v3, vm0, $0xb8;
	[tilespmem:$0x1C400] =	vst v63  }
0xb7: {  	v3 =	vld [tilespmem:$0x60];
	_ =	sdelay $0x4  }
0xb8: {  	v63 =	vshll.u32 v3, $0x3  }
0xb9: {  	v3 =	vand.u32 $0x7, v3;
	v4 =	vand.u32 $0xFFFFFFC0, v63  }
0xba: {  	v3 =	vor.u32 v3, v4  }
0xbb: {  	v4 =	vperm.xlane v3, v0;
	_ =	sdelay $0x1  }
0xbc: {  	v4 =	vadd.s32 v1, v4;
	_ =	sdelay $0x4  }
0xbd: {  	[tilespmem:s10], [sflag:$0x7] =	stream.indirect_vreg.gather [hbm4b:s2+s3], $0x80, v4, vm0, $0xb8;
	[tilespmem:$0x1C400] =	vst v63  }
0xbe: {  	s16 =	simm.s32 $0x18C00;
	v3 =	vperm.xlane v3, v2  }
0xbf: {  	[tilespmem:s16], [sflag:$0x7] =	stream.indirect_vreg.gather [hbm4b:s5+s3], $0x80, v4, vm0, $0xb8;
	[tilespmem:$0x1C400] =	vst v63  }
0xc0: {  	s1 =	simm.s32 $0x19400;
	v3 =	vadd.s32 v1, v3  }
0xc1: {  	[tilespmem:s1], [sflag:$0x7] =	stream.indirect_vreg.gather [hbm4b:s6+s3], $0x80, v4, vm0, $0xb8;
	[tilespmem:$0x1C400] =	vst v63  }
0xc2: {  	s16 =	simm.s32 $0x19C00  }
0xc3: {  	[tilespmem:s16], [sflag:$0x7] =	stream.indirect_vreg.gather [hbm4b:s7+s3], $0x80, v4, vm0, $0xb8;
	[tilespmem:$0x1C400] =	vst v63  }
0xc4: {  	s1 =	simm.s32 $0x1A400  }
0xc5: {  	[tilespmem:s1], [sflag:$0x7] =	stream.indirect_vreg.gather [hbm4b:s2+s3], $0x80, v3, vm0, $0xb8;
	[tilespmem:$0x1C400] =	vst v63  }
0xc6: {  	s16 =	simm.s32 $0x1AC00  }
0xc7: {  	[tilespmem:s16], [sflag:$0x7] =	stream.indirect_vreg.gather [hbm4b:s5+s3], $0x80, v3, vm0, $0xb8;
	[tilespmem:$0x1C400] =	vst v63  }
.Ltmp2:
0xc8: {  	_ = 	snop;
	(pc) =	sbr.rel .LBB2_2-.Ltmp2, $4  }
0xc9: {  	s31 =	simm.s32 $0x0;
	s1 =	simm.s32 $0x1B400  }
0xca: {  	[tilespmem:s1], [sflag:$0x7] =	stream.indirect_vreg.gather [hbm4b:s6+s3], $0x80, v3, vm0, $0xb8;
	[tilespmem:$0x1C400] =	vst v63  }
0xcb: {  	s0 =	simm.s32 $0xD0;
	s16 =	simm.s32 $0x1BC00;
	s1 =	simm.s32 $0x0  }
0xcc: {  	[tilespmem:s16], [sflag:$0x7] =	stream.indirect_vreg.gather [hbm4b:s7+s3], $0x80, v3, vm0, $0xb8;
	[tilespmem:$0x1C400] =	vst v63  }
.LBB2_11:
0xcd: {  	_ =	swait.ge [sflag:s4], $0x4000  }
0xce: {  	[sflag:s4] =	ssyncset.done $0x0  }
0xcf: {  	s16 =	sadd.s32 s31, s12;
	[sflag:s4] =	ssyncadd.s32 $0xFFFFC000  }
0xd0: {  	[hbm4b:s16+s3] =	stream.linear.scatter [tilespmem:s10], [sflag:$0xE], $0x4000, $0x38;
	[tilespmem:$0x1C400] =	vst v63  }
.LBB2_12:
0xd1: {  	s31 =	sadd.s32 $0x3800, s31  }
0xd2: {  	p0 =	sne.s32 s31, $0x23000  }
.Ltmp3:
0xd3: {  	_ = 	snop;
	(pc) =	sbr.rel @!p0 .LBB2_13-.Ltmp3, $2  }
0xd4: {  	_ =	sdelay $0x2  }
0xd5: {  	s1 =	sadd.s32 $0x1, s1;
	s0 =	sadd.s32 $0x70, s0  }
.LBB2_2:
0xd6: {  	p0 =	seq.s32 s31, $0x1F800  }
.Ltmp4:
0xd7: {  	_ = 	snop;
	(pc) =	sbr.rel @p0 .LBB2_13-.Ltmp4, $4  }
0xd8: {  	_ =	swait.ge [sflag:s29], $0x4000  }
0xd9: {  	[sflag:s29] =	ssyncset.done $0x0  }
0xda: {  	s16 =	sadd.s32 s31, s9;
	[sflag:s29] =	ssyncadd.s32 $0xFFFFC000  }
0xdb: {  	[hbm4b:s16+s3] =	stream.linear.scatter [tilespmem:s17], [sflag:$0x8], $0x4000, $0x38;
	[tilespmem:$0x1C400] =	vst v63  }
0xdc: {  	_ =	swait.ge [sflag:s30], $0x4000  }
0xdd: {  	[sflag:s30] =	ssyncset.done $0x0  }
0xde: {  	[sflag:s30] =	ssyncadd.s32 $0xFFFFC000  }
0xdf: {  	v3 =	vld [tilespmem:s0+$0xFFFFFFA0];
	_ =	sdelay $0x4  }
0xe0: {  	v4 =	vshll.u32 v3, $0x3  }
0xe1: {  	v3 =	vand.u32 $0x7, v3;
	v4 =	vand.u32 $0xFFFFFFC0, v4  }
0xe2: {  	v3 =	vor.u32 v3, v4  }
0xe3: {  	v4 =	vperm.xlane v3, v0;
	_ =	sdelay $0x1  }
0xe4: {  	v4 =	vadd.s32 v1, v4;
	_ =	sdelay $0x4  }
0xe5: {  	[tilespmem:s17], [sflag:$0x1] =	stream.indirect_vreg.gather [hbm4b:s2+s3], $0x80, v4, vm0, $0xb8;
	[tilespmem:$0x1C400] =	vst v63  }
0xe6: {  	s16 =	simm.s32 $0xC00;
	v3 =	vperm.xlane v3, v2  }
0xe7: {  	[tilespmem:s16], [sflag:$0x1] =	stream.indirect_vreg.gather [hbm4b:s5+s3], $0x80, v4, vm0, $0xb8;
	[tilespmem:$0x1C400] =	vst v63  }
0xe8: {  	s8 =	simm.s32 $0x1400;
	v3 =	vadd.s32 v1, v3  }
0xe9: {  	[tilespmem:s8], [sflag:$0x1] =	stream.indirect_vreg.gather [hbm4b:s6+s3], $0x80, v4, vm0, $0xb8;
	[tilespmem:$0x1C400] =	vst v63  }
0xea: {  	s8 =	simm.s32 $0x1C00  }
0xeb: {  	[tilespmem:s8], [sflag:$0x1] =	stream.indirect_vreg.gather [hbm4b:s7+s3], $0x80, v4, vm0, $0xb8;
	[tilespmem:$0x1C400] =	vst v63  }
0xec: {  	s8 =	simm.s32 $0x2400  }
0xed: {  	[tilespmem:s8], [sflag:$0x1] =	stream.indirect_vreg.gather [hbm4b:s2+s3], $0x80, v3, vm0, $0xb8;
	[tilespmem:$0x1C400] =	vst v63  }
0xee: {  	s8 =	simm.s32 $0x2C00  }
0xef: {  	[tilespmem:s8], [sflag:$0x1] =	stream.indirect_vreg.gather [hbm4b:s5+s3], $0x80, v3, vm0, $0xb8;
	[tilespmem:$0x1C400] =	vst v63  }
0xf0: {  	s8 =	simm.s32 $0x3400  }
0xf1: {  	[tilespmem:s8], [sflag:$0x1] =	stream.indirect_vreg.gather [hbm4b:s6+s3], $0x80, v3, vm0, $0xb8;
	[tilespmem:$0x1C400] =	vst v63  }
0xf2: {  	p0 =	sgt.u32 s1, $0x7;
	s8 =	simm.s32 $0x3C00  }
0xf3: {  	[tilespmem:s8], [sflag:$0x1] =	stream.indirect_vreg.gather [hbm4b:s7+s3], $0x80, v3, vm0, $0xb8;
	[tilespmem:$0x1C400] =	vst v63  }
.Ltmp5:
0xf4: {  	_ =	swait.ge [sflag:s21], $0x4000;
	(pc) =	sbr.rel @p0 .LBB2_5-.Ltmp5, $4  }
0xf5: {  	[sflag:s21] =	ssyncset.done $0x0  }
0xf6: {  	s16 =	sadd.s32 s31, s19;
	s8 =	simm.s32 $0x4400;
	[sflag:s21] =	ssyncadd.s32 $0xFFFFC000  }
0xf7: {  	[hbm4b:s16+s3] =	stream.linear.scatter [tilespmem:s8], [sflag:$0x9], $0x4000, $0x38;
	[tilespmem:$0x1C400] =	vst v63  }
0xf8: {  	s16 =	simm.s32 $0x4400  }
0xf9: {  	s8 =	simm.s32 $0x9  }
0xfa: {  	_ =	swait.ge [sflag:s8], $0x4000  }
0xfb: {  	[sflag:s8] =	ssyncset.done $0x0  }
0xfc: {  	[sflag:s8] =	ssyncadd.s32 $0xFFFFC000  }
0xfd: {  	v3 =	vld [tilespmem:s0+$0xFFFFFFB0];
	_ =	sdelay $0x4  }
0xfe: {  	v4 =	vshll.u32 v3, $0x3  }
0xff: {  	v3 =	vand.u32 $0x7, v3;
	v4 =	vand.u32 $0xFFFFFFC0, v4  }
0x100: {  	v3 =	vor.u32 v3, v4  }
0x101: {  	v4 =	vperm.xlane v3, v0;
	_ =	sdelay $0x1  }
0x102: {  	v4 =	vadd.s32 v1, v4;
	_ =	sdelay $0x4  }
0x103: {  	[tilespmem:s16], [sflag:$0x2] =	stream.indirect_vreg.gather [hbm4b:s2+s3], $0x80, v4, vm0, $0xb8;
	[tilespmem:$0x1C400] =	vst v63  }
0x104: {  	v3 =	vperm.xlane v3, v2;
	s16 =	simm.s32 $0x4C00  }
0x105: {  	[tilespmem:s16], [sflag:$0x2] =	stream.indirect_vreg.gather [hbm4b:s5+s3], $0x80, v4, vm0, $0xb8;
	[tilespmem:$0x1C400] =	vst v63  }
0x106: {  	s26 =	simm.s32 $0x5400;
	v3 =	vadd.s32 v1, v3  }
0x107: {  	[tilespmem:s26], [sflag:$0x2] =	stream.indirect_vreg.gather [hbm4b:s6+s3], $0x80, v4, vm0, $0xb8;
	[tilespmem:$0x1C400] =	vst v63  }
0x108: {  	s16 =	simm.s32 $0x5C00  }
0x109: {  	[tilespmem:s16], [sflag:$0x2] =	stream.indirect_vreg.gather [hbm4b:s7+s3], $0x80, v4, vm0, $0xb8;
	[tilespmem:$0x1C400] =	vst v63  }
0x10a: {  	s26 =	simm.s32 $0x6400  }
0x10b: {  	[tilespmem:s26], [sflag:$0x2] =	stream.indirect_vreg.gather [hbm4b:s2+s3], $0x80, v3, vm0, $0xb8;
	[tilespmem:$0x1C400] =	vst v63  }
0x10c: {  	s16 =	simm.s32 $0x6C00  }
0x10d: {  	[tilespmem:s16], [sflag:$0x2] =	stream.indirect_vreg.gather [hbm4b:s5+s3], $0x80, v3, vm0, $0xb8;
	[tilespmem:$0x1C400] =	vst v63  }
0x10e: {  	s26 =	simm.s32 $0x7400  }
0x10f: {  	[tilespmem:s26], [sflag:$0x2] =	stream.indirect_vreg.gather [hbm4b:s6+s3], $0x80, v3, vm0, $0xb8;
	[tilespmem:$0x1C400] =	vst v63  }
0x110: {  	s16 =	simm.s32 $0x7C00  }
0x111: {  	[tilespmem:s16], [sflag:$0x2] =	stream.indirect_vreg.gather [hbm4b:s7+s3], $0x80, v3, vm0, $0xb8;
	[tilespmem:$0x1C400] =	vst v63  }
0x112: {  	_ =	swait.ge [sflag:s22], $0x4000  }
0x113: {  	[sflag:s22] =	ssyncset.done $0x0  }
0x114: {  	s8 =	simm.s32 $0x8400;
	s26 =	sadd.s32 s31, s14;
	[sflag:s22] =	ssyncadd.s32 $0xFFFFC000  }
0x115: {  	[hbm4b:s26+s3] =	stream.linear.scatter [tilespmem:s8], [sflag:$0xA], $0x4000, $0x38;
	[tilespmem:$0x1C400] =	vst v63  }
0x116: {  	s26 =	simm.s32 $0xA  }
0x117: {  	_ =	swait.ge [sflag:s26], $0x4000  }
0x118: {  	[sflag:s26] =	ssyncset.done $0x0  }
0x119: {  	[sflag:s26] =	ssyncadd.s32 $0xFFFFC000  }
0x11a: {  	v3 =	vld [tilespmem:s0+$0xFFFFFFC0];
	_ =	sdelay $0x4  }
0x11b: {  	v63 =	vshll.u32 v3, $0x3  }
0x11c: {  	v3 =	vand.u32 $0x7, v3;
	v4 =	vand.u32 $0xFFFFFFC0, v63  }
0x11d: {  	v3 =	vor.u32 v3, v4  }
0x11e: {  	v4 =	vperm.xlane v3, v0;
	_ =	sdelay $0x1  }
0x11f: {  	v4 =	vadd.s32 v1, v4;
	_ =	sdelay $0x4  }
0x120: {  	[tilespmem:s8], [sflag:$0x3] =	stream.indirect_vreg.gather [hbm4b:s2+s3], $0x80, v4, vm0, $0xb8;
	[tilespmem:$0x1C400] =	vst v63  }
0x121: {  	s16 =	simm.s32 $0x8C00;
	v3 =	vperm.xlane v3, v2  }
0x122: {  	[tilespmem:s16], [sflag:$0x3] =	stream.indirect_vreg.gather [hbm4b:s5+s3], $0x80, v4, vm0, $0xb8;
	[tilespmem:$0x1C400] =	vst v63  }
0x123: {  	v3 =	vadd.s32 v1, v3;
	s16 =	simm.s32 $0x9400  }
0x124: {  	[tilespmem:s16], [sflag:$0x3] =	stream.indirect_vreg.gather [hbm4b:s6+s3], $0x80, v4, vm0, $0xb8;
	[tilespmem:$0x1C400] =	vst v63  }
0x125: {  	s16 =	simm.s32 $0x9C00  }
0x126: {  	[tilespmem:s16], [sflag:$0x3] =	stream.indirect_vreg.gather [hbm4b:s7+s3], $0x80, v4, vm0, $0xb8;
	[tilespmem:$0x1C400] =	vst v63  }
0x127: {  	s16 =	simm.s32 $0xA400  }
0x128: {  	[tilespmem:s16], [sflag:$0x3] =	stream.indirect_vreg.gather [hbm4b:s2+s3], $0x80, v3, vm0, $0xb8;
	[tilespmem:$0x1C400] =	vst v63  }
0x129: {  	s16 =	simm.s32 $0xAC00  }
0x12a: {  	[tilespmem:s16], [sflag:$0x3] =	stream.indirect_vreg.gather [hbm4b:s5+s3], $0x80, v3, vm0, $0xb8;
	[tilespmem:$0x1C400] =	vst v63  }
.Ltmp6:
0x12b: {  	_ = 	snop;
	(pc) =	sbr.rel .LBB2_6-.Ltmp6, $4  }
0x12c: {  	s16 =	simm.s32 $0xB400  }
0x12d: {  	[tilespmem:s16], [sflag:$0x3] =	stream.indirect_vreg.gather [hbm4b:s6+s3], $0x80, v3, vm0, $0xb8;
	[tilespmem:$0x1C400] =	vst v63  }
0x12e: {  	s26 =	simm.s32 $0x8400;
	s16 =	simm.s32 $0xBC00  }
0x12f: {  	[tilespmem:s16], [sflag:$0x3] =	stream.indirect_vreg.gather [hbm4b:s7+s3], $0x80, v3, vm0, $0xb8;
	[tilespmem:$0x1C400] =	vst v63  }
.LBB2_5:
0x130: {  	_ =	swait.ge [sflag:s22], $0x4000  }
0x131: {  	[sflag:s22] =	ssyncset.done $0x0  }
0x132: {  	s16 =	sadd.s32 s31, s14;
	[sflag:s22] =	ssyncadd.s32 $0xFFFFC000  }
0x133: {  	[hbm4b:s16+s3] =	stream.linear.scatter [tilespmem:s26], [sflag:$0xA], $0x4000, $0x38;
	[tilespmem:$0x1C400] =	vst v63  }
.LBB2_6:
.Ltmp7:
0x134: {  	(pc) =	sbr.rel @p0 .LBB2_8-.Ltmp7, $4  }
0x135: {  	_ =	swait.ge [sflag:s23], $0x4000  }
0x136: {  	[sflag:s23] =	ssyncset.done $0x0  }
0x137: {  	s16 =	sadd.s32 s31, s11;
	s8 =	simm.s32 $0xC400;
	[sflag:s23] =	ssyncadd.s32 $0xFFFFC000  }
0x138: {  	[hbm4b:s16+s3] =	stream.linear.scatter [tilespmem:s8], [sflag:$0xB], $0x4000, $0x38;
	[tilespmem:$0x1C400] =	vst v63  }
0x139: {  	s16 =	simm.s32 $0xB  }
0x13a: {  	_ =	swait.ge [sflag:s16], $0x4000  }
0x13b: {  	[sflag:s16] =	ssyncset.done $0x0  }
0x13c: {  	[sflag:s16] =	ssyncadd.s32 $0xFFFFC000  }
0x13d: {  	v3 =	vld [tilespmem:s0+$0xFFFFFFD0];
	_ =	sdelay $0x4  }
0x13e: {  	v4 =	vshll.u32 v3, $0x3  }
0x13f: {  	v3 =	vand.u32 $0x7, v3;
	v4 =	vand.u32 $0xFFFFFFC0, v4  }
0x140: {  	v3 =	vor.u32 v3, v4  }
0x141: {  	v4 =	vperm.xlane v3, v0;
	_ =	sdelay $0x1  }
0x142: {  	v4 =	vadd.s32 v1, v4;
	_ =	sdelay $0x4  }
0x143: {  	[tilespmem:s8], [sflag:$0x4] =	stream.indirect_vreg.gather [hbm4b:s2+s3], $0x80, v4, vm0, $0xb8;
	[tilespmem:$0x1C400] =	vst v63  }
0x144: {  	s18 =	simm.s32 $0xCC00;
	v3 =	vperm.xlane v3, v2  }
0x145: {  	[tilespmem:s18], [sflag:$0x4] =	stream.indirect_vreg.gather [hbm4b:s5+s3], $0x80, v4, vm0, $0xb8;
	[tilespmem:$0x1C400] =	vst v63  }
0x146: {  	v3 =	vadd.s32 v1, v3;
	s18 =	simm.s32 $0xD400  }
0x147: {  	[tilespmem:s18], [sflag:$0x4] =	stream.indirect_vreg.gather [hbm4b:s6+s3], $0x80, v4, vm0, $0xb8;
	[tilespmem:$0x1C400] =	vst v63  }
0x148: {  	s18 =	simm.s32 $0xDC00  }
0x149: {  	[tilespmem:s18], [sflag:$0x4] =	stream.indirect_vreg.gather [hbm4b:s7+s3], $0x80, v4, vm0, $0xb8;
	[tilespmem:$0x1C400] =	vst v63  }
0x14a: {  	s18 =	simm.s32 $0xE400  }
0x14b: {  	[tilespmem:s18], [sflag:$0x4] =	stream.indirect_vreg.gather [hbm4b:s2+s3], $0x80, v3, vm0, $0xb8;
	[tilespmem:$0x1C400] =	vst v63  }
0x14c: {  	s18 =	simm.s32 $0xEC00  }
0x14d: {  	[tilespmem:s18], [sflag:$0x4] =	stream.indirect_vreg.gather [hbm4b:s5+s3], $0x80, v3, vm0, $0xb8;
	[tilespmem:$0x1C400] =	vst v63  }
0x14e: {  	s18 =	simm.s32 $0xF400  }
0x14f: {  	[tilespmem:s18], [sflag:$0x4] =	stream.indirect_vreg.gather [hbm4b:s6+s3], $0x80, v3, vm0, $0xb8;
	[tilespmem:$0x1C400] =	vst v63  }
0x150: {  	s18 =	simm.s32 $0xFC00  }
0x151: {  	[tilespmem:s18], [sflag:$0x4] =	stream.indirect_vreg.gather [hbm4b:s7+s3], $0x80, v3, vm0, $0xb8;
	[tilespmem:$0x1C400] =	vst v63  }
0x152: {  	_ =	swait.ge [sflag:s24], $0x4000  }
0x153: {  	[sflag:s24] =	ssyncset.done $0x0  }
0x154: {  	s16 =	sadd.s32 s31, s13;
	s18 =	simm.s32 $0x10400;
	[sflag:s24] =	ssyncadd.s32 $0xFFFFC000  }
0x155: {  	[hbm4b:s16+s3] =	stream.linear.scatter [tilespmem:s18], [sflag:$0xC], $0x4000, $0x38;
	[tilespmem:$0x1C400] =	vst v63  }
0x156: {  	s16 =	simm.s32 $0xC  }
0x157: {  	_ =	swait.ge [sflag:s16], $0x4000  }
0x158: {  	[sflag:s16] =	ssyncset.done $0x0  }
0x159: {  	[sflag:s16] =	ssyncadd.s32 $0xFFFFC000  }
0x15a: {  	v3 =	vld [tilespmem:s0+$0xFFFFFFE0];
	_ =	sdelay $0x4  }
0x15b: {  	v63 =	vshll.u32 v3, $0x3  }
0x15c: {  	v3 =	vand.u32 $0x7, v3;
	v4 =	vand.u32 $0xFFFFFFC0, v63  }
0x15d: {  	v3 =	vor.u32 v3, v4  }
0x15e: {  	v4 =	vperm.xlane v3, v0;
	_ =	sdelay $0x1  }
0x15f: {  	v4 =	vadd.s32 v1, v4;
	_ =	sdelay $0x4  }
0x160: {  	[tilespmem:s18], [sflag:$0x5] =	stream.indirect_vreg.gather [hbm4b:s2+s3], $0x80, v4, vm0, $0xb8;
	[tilespmem:$0x1C400] =	vst v63  }
0x161: {  	s16 =	simm.s32 $0x10C00;
	v3 =	vperm.xlane v3, v2  }
0x162: {  	[tilespmem:s16], [sflag:$0x5] =	stream.indirect_vreg.gather [hbm4b:s5+s3], $0x80, v4, vm0, $0xb8;
	[tilespmem:$0x1C400] =	vst v63  }
0x163: {  	v3 =	vadd.s32 v1, v3;
	s16 =	simm.s32 $0x11400  }
0x164: {  	[tilespmem:s16], [sflag:$0x5] =	stream.indirect_vreg.gather [hbm4b:s6+s3], $0x80, v4, vm0, $0xb8;
	[tilespmem:$0x1C400] =	vst v63  }
0x165: {  	s16 =	simm.s32 $0x11C00  }
0x166: {  	[tilespmem:s16], [sflag:$0x5] =	stream.indirect_vreg.gather [hbm4b:s7+s3], $0x80, v4, vm0, $0xb8;
	[tilespmem:$0x1C400] =	vst v63  }
0x167: {  	s16 =	simm.s32 $0x12400  }
0x168: {  	[tilespmem:s16], [sflag:$0x5] =	stream.indirect_vreg.gather [hbm4b:s2+s3], $0x80, v3, vm0, $0xb8;
	[tilespmem:$0x1C400] =	vst v63  }
0x169: {  	s16 =	simm.s32 $0x12C00  }
0x16a: {  	[tilespmem:s16], [sflag:$0x5] =	stream.indirect_vreg.gather [hbm4b:s5+s3], $0x80, v3, vm0, $0xb8;
	[tilespmem:$0x1C400] =	vst v63  }
.Ltmp8:
0x16b: {  	_ = 	snop;
	(pc) =	sbr.rel .LBB2_9-.Ltmp8, $4  }
0x16c: {  	s16 =	simm.s32 $0x13400  }
0x16d: {  	[tilespmem:s16], [sflag:$0x5] =	stream.indirect_vreg.gather [hbm4b:s6+s3], $0x80, v3, vm0, $0xb8;
	[tilespmem:$0x1C400] =	vst v63  }
0x16e: {  	s28 =	simm.s32 $0x10400;
	s18 =	simm.s32 $0x14400;
	s16 =	simm.s32 $0x13C00  }
0x16f: {  	[tilespmem:s16], [sflag:$0x5] =	stream.indirect_vreg.gather [hbm4b:s7+s3], $0x80, v3, vm0, $0xb8;
	[tilespmem:$0x1C400] =	vst v63  }
.LBB2_8:
0x170: {  	_ =	swait.ge [sflag:s24], $0x4000  }
0x171: {  	[sflag:s24] =	ssyncset.done $0x0  }
0x172: {  	s16 =	sadd.s32 s31, s13;
	[sflag:s24] =	ssyncadd.s32 $0xFFFFC000  }
0x173: {  	[hbm4b:s16+s3] =	stream.linear.scatter [tilespmem:s28], [sflag:$0xC], $0x4000, $0x38;
	[tilespmem:$0x1C400] =	vst v63  }
.LBB2_9:
.Ltmp9:
0x174: {  	(pc) =	sbr.rel @p0 .LBB2_11-.Ltmp9, $4  }
0x175: {  	_ =	swait.ge [sflag:s25], $0x4000  }
0x176: {  	[sflag:s25] =	ssyncset.done $0x0  }
0x177: {  	s16 =	sadd.s32 s31, s15;
	[sflag:s25] =	ssyncadd.s32 $0xFFFFC000  }
0x178: {  	[hbm4b:s16+s3] =	stream.linear.scatter [tilespmem:s18], [sflag:$0xD], $0x4000, $0x38;
	[tilespmem:$0x1C400] =	vst v63  }
0x179: {  	s10 =	simm.s32 $0xD  }
0x17a: {  	_ =	swait.ge [sflag:s10], $0x4000  }
0x17b: {  	[sflag:s10] =	ssyncset.done $0x0  }
0x17c: {  	[sflag:s10] =	ssyncadd.s32 $0xFFFFC000  }
0x17d: {  	v3 =	vld [tilespmem:s0+$0xFFFFFFF0];
	_ =	sdelay $0x4  }
0x17e: {  	v4 =	vshll.u32 v3, $0x3  }
0x17f: {  	v3 =	vand.u32 $0x7, v3;
	v4 =	vand.u32 $0xFFFFFFC0, v4  }
0x180: {  	v3 =	vor.u32 v3, v4  }
0x181: {  	v4 =	vperm.xlane v3, v0;
	_ =	sdelay $0x1  }
0x182: {  	v4 =	vadd.s32 v1, v4;
	_ =	sdelay $0x4  }
0x183: {  	[tilespmem:s18], [sflag:$0x6] =	stream.indirect_vreg.gather [hbm4b:s2+s3], $0x80, v4, vm0, $0xb8;
	[tilespmem:$0x1C400] =	vst v63  }
0x184: {  	s16 =	simm.s32 $0x14C00;
	v3 =	vperm.xlane v3, v2  }
0x185: {  	[tilespmem:s16], [sflag:$0x6] =	stream.indirect_vreg.gather [hbm4b:s5+s3], $0x80, v4, vm0, $0xb8;
	[tilespmem:$0x1C400] =	vst v63  }
0x186: {  	s10 =	simm.s32 $0x15400;
	v3 =	vadd.s32 v1, v3  }
0x187: {  	[tilespmem:s10], [sflag:$0x6] =	stream.indirect_vreg.gather [hbm4b:s6+s3], $0x80, v4, vm0, $0xb8;
	[tilespmem:$0x1C400] =	vst v63  }
0x188: {  	s10 =	simm.s32 $0x15C00  }
0x189: {  	[tilespmem:s10], [sflag:$0x6] =	stream.indirect_vreg.gather [hbm4b:s7+s3], $0x80, v4, vm0, $0xb8;
	[tilespmem:$0x1C400] =	vst v63  }
0x18a: {  	s10 =	simm.s32 $0x16400  }
0x18b: {  	[tilespmem:s10], [sflag:$0x6] =	stream.indirect_vreg.gather [hbm4b:s2+s3], $0x80, v3, vm0, $0xb8;
	[tilespmem:$0x1C400] =	vst v63  }
0x18c: {  	s10 =	simm.s32 $0x16C00  }
0x18d: {  	[tilespmem:s10], [sflag:$0x6] =	stream.indirect_vreg.gather [hbm4b:s5+s3], $0x80, v3, vm0, $0xb8;
	[tilespmem:$0x1C400] =	vst v63  }
0x18e: {  	s10 =	simm.s32 $0x17400  }
0x18f: {  	[tilespmem:s10], [sflag:$0x6] =	stream.indirect_vreg.gather [hbm4b:s6+s3], $0x80, v3, vm0, $0xb8;
	[tilespmem:$0x1C400] =	vst v63  }
0x190: {  	s10 =	simm.s32 $0x17C00  }
0x191: {  	[tilespmem:s10], [sflag:$0x6] =	stream.indirect_vreg.gather [hbm4b:s7+s3], $0x80, v3, vm0, $0xb8;
	[tilespmem:$0x1C400] =	vst v63  }
0x192: {  	_ =	swait.ge [sflag:s4], $0x4000  }
0x193: {  	[sflag:s4] =	ssyncset.done $0x0  }
0x194: {  	s16 =	simm.s32 $0xE;
	s10 =	sadd.s32 s31, s12;
	[sflag:s4] =	ssyncadd.s32 $0xFFFFC000  }
0x195: {  	[hbm4b:s10+s3] =	stream.linear.scatter [tilespmem:s20], [sflag:$0xE], $0x4000, $0x38;
	[tilespmem:$0x1C400] =	vst v63  }
0x196: {  	_ =	swait.ge [sflag:s16], $0x4000  }
0x197: {  	[sflag:s16] =	ssyncset.done $0x0  }
0x198: {  	[sflag:s16] =	ssyncadd.s32 $0xFFFFC000  }
0x199: {  	v3 =	vld [tilespmem:s0+$0x0];
	_ =	sdelay $0x4  }
0x19a: {  	v63 =	vshll.u32 v3, $0x3  }
0x19b: {  	v3 =	vand.u32 $0x7, v3;
	v4 =	vand.u32 $0xFFFFFFC0, v63  }
0x19c: {  	v3 =	vor.u32 v3, v4  }
0x19d: {  	v4 =	vperm.xlane v3, v0;
	_ =	sdelay $0x1  }
0x19e: {  	v4 =	vadd.s32 v1, v4;
	_ =	sdelay $0x4  }
0x19f: {  	[tilespmem:s20], [sflag:$0x7] =	stream.indirect_vreg.gather [hbm4b:s2+s3], $0x80, v4, vm0, $0xb8;
	[tilespmem:$0x1C400] =	vst v63  }
0x1a0: {  	s16 =	simm.s32 $0x18C00;
	v3 =	vperm.xlane v3, v2  }
0x1a1: {  	[tilespmem:s16], [sflag:$0x7] =	stream.indirect_vreg.gather [hbm4b:s5+s3], $0x80, v4, vm0, $0xb8;
	[tilespmem:$0x1C400] =	vst v63  }
0x1a2: {  	v3 =	vadd.s32 v1, v3;
	s16 =	simm.s32 $0x19400  }
0x1a3: {  	[tilespmem:s16], [sflag:$0x7] =	stream.indirect_vreg.gather [hbm4b:s6+s3], $0x80, v4, vm0, $0xb8;
	[tilespmem:$0x1C400] =	vst v63  }
0x1a4: {  	s16 =	simm.s32 $0x19C00  }
0x1a5: {  	[tilespmem:s16], [sflag:$0x7] =	stream.indirect_vreg.gather [hbm4b:s7+s3], $0x80, v4, vm0, $0xb8;
	[tilespmem:$0x1C400] =	vst v63  }
0x1a6: {  	s16 =	simm.s32 $0x1A400  }
0x1a7: {  	[tilespmem:s16], [sflag:$0x7] =	stream.indirect_vreg.gather [hbm4b:s2+s3], $0x80, v3, vm0, $0xb8;
	[tilespmem:$0x1C400] =	vst v63  }
0x1a8: {  	s16 =	simm.s32 $0x1AC00  }
0x1a9: {  	[tilespmem:s16], [sflag:$0x7] =	stream.indirect_vreg.gather [hbm4b:s5+s3], $0x80, v3, vm0, $0xb8;
	[tilespmem:$0x1C400] =	vst v63  }
.Ltmp10:
0x1aa: {  	_ = 	snop;
	(pc) =	sbr.rel .LBB2_12-.Ltmp10, $4  }
0x1ab: {  	s16 =	simm.s32 $0x1B400  }
0x1ac: {  	[tilespmem:s16], [sflag:$0x7] =	stream.indirect_vreg.gather [hbm4b:s6+s3], $0x80, v3, vm0, $0xb8;
	[tilespmem:$0x1C400] =	vst v63  }
0x1ad: {  	s10 =	simm.s32 $0x18400;
	s16 =	simm.s32 $0x1BC00  }
0x1ae: {  	[tilespmem:s16], [sflag:$0x7] =	stream.indirect_vreg.gather [hbm4b:s7+s3], $0x80, v3, vm0, $0xb8;
	[tilespmem:$0x1C400] =	vst v63  }
.LBB2_14:
0x1af: {  	_ =	sfence.sel $0x180000  }
0x1b0: {  	[bflag:$0x0] =	sbarrier.arrive $0xFFFF  }
0x1b1: {  	_ =	strace $0x90000047  }
0x1b2: {  	s0 =	stileid.u32;
	[bflag:$0x2] =	sbarrier.arrive $0xFFFF  }
0x1b3: {  	p0 =	sne.s32 s0, $0x0;
	s0 =	rddreg [dreg:$0x3]  }
0x1b4: {  	s0 =	sadd.s32 @!p0 $0x100000, s0  }
0x1b5: {  	[sflag:s0] =	ssyncadd.tile.s32 @!p0 $0x1;
	_ =	shalt  }
.Lfunc_end2:
_tile_overlayer_lowered:
.L_overlay_start_2:
0x1b6: {  	(tag) =	ssettag $0x2  }
0x1b7: {  	s0 =	rddreg [dreg:$0x0];
	s2 =	stileid.u32  }
0x1b8: {  	s1 =	rddreg [dreg:$0x1];
	p0 =	sne.s32 s2, $0x0  }
0x1b9: {  	s3 =	rddreg [dreg:$0x2];
	[bflag:$0x3] =	sbarrier.arrive $0xFFFF;
	s2 =	simm.s32 @!p0 $0x1C0F  }
0x1ba: {  	[timem:s3], [sflag:s2] =	dma.local @!p0 [hbm:s0], s1  }
0x1bb: {  	s0 =	simm.s32 @!p0 $0xF  }
0x1bc: {  	_ =	swait.ge @!p0 [sflag:s0], s1  }
0x1bd: {  	s1 =	ssub.s32 @!p0 $0x0, s1;
	[sflag:s0] =	ssyncset.done @!p0 $0x0  }
0x1be: {  	[sflag:s0] =	ssyncadd.s32 @!p0 s1  }
0x1bf: {  	[bflag:$0x3] =	sbarrier.arrive $0xFFFF  }
0x1c0: {  	_ =	shalt  }

</sc_bundles>
